<compile_context>
chip_gen: v7x
topology: tpu7x:2x2x1
jax: 0.10.2.dev20260603
libtpu: 0.0.44.dev20260713+nightly
codegen_flags: <defaults>
</compile_context>

<pallas_src>
import numpy as np
import jax
import jax.numpy as jnp
from jax.experimental import pallas as pl
from jax.experimental.pallas import tpu as pltpu
from jax.experimental.pallas import tpu_sc as plsc

_B = 4
_NPOCK = 64
_MINP = 32
_NV = 200
_NF = 5
_NTH = 16
_NRH = 5
_NG = _NTH * _NRH
_NROT = 16
_NLIG = 7
_NPATCH = _B * _MINP
_ROWW = 256
_P = 8
_GW = 16


def _gather_body(tab_ref, idx_ref, out_ref, idx_v, rows_v, sem):
    wid = jax.lax.axis_index("s") * 2 + jax.lax.axis_index("c")

    @pl.when(wid < _GW)
    def _():
        base = wid * (_NPATCH // _GW)
        pltpu.sync_copy(idx_ref.at[pl.ds(base, _NPATCH // _GW)], idx_v)
        pltpu.async_copy(tab_ref.at[idx_v], rows_v, sem).wait()
        pltpu.sync_copy(rows_v, out_ref.at[pl.ds(base, _NPATCH // _GW)])


def _pack_body(f_ref, P_ref, r_ref, t_ref, m_ref, o_ref):
    ft = jnp.dot(f_ref[...].reshape(32, _NV * _NF), P_ref[...],
                 preferred_element_type=jnp.float32)
    rows = [ft[:, i * _ROWW:(i + 1) * _ROWW][:, None, :] for i in range(_NF)]
    pad = ((0, 0), (0, 0), (0, _ROWW - _NV))
    rows += [jnp.pad(r_ref[...], pad), jnp.pad(t_ref[...], pad),
             jnp.pad(m_ref[...], pad)]
    o_ref[...] = jnp.concatenate(rows, axis=1)


def _conv_body(tab_ref, mur_ref, mut_ref, gam_ref, W_ref, bc_ref, out_ref):
    blk = tab_ref[...]
    feat = blk[:, :_NF, :_NV]
    rho = blk[:, _NF, :_NV]
    th = blk[:, _NF + 1, :_NV]
    msk = blk[:, _NF + 2, :_NV]
    sr = gam_ref[0, 0]
    st = gam_ref[0, 1]
    murc = mur_ref[...]
    mutc = mut_ref[...]

    dr = (rho * sr)[:, None, :] - murc
    rgm = jnp.exp(-(dr * dr)) * msk[:, None, :]
    f6 = jnp.concatenate(
        [feat, jnp.ones((_P, 1, _NV), jnp.float32)], axis=1)
    thr = th[:, None, :]

    rgm4 = rgm.reshape(_P, _NRH, _NTH, _NV)
    descs = []
    for k in range(_NROT):
        tk = jnp.mod(thr + (k * 2.0 * np.pi / _NROT), 2.0 * np.pi) * st
        dt = tk - mutc
        tg = jnp.exp(-(dt * dt))
        g = (rgm4 * tg[:, None]).reshape(_P, _NG, _NV)
        d = jax.lax.dot_general(
            f6, g, (((2,), (2,)), ((0,), (0,))),
            preferred_element_type=jnp.float32)
        descs.append(d[:, :_NF] / (d[:, _NF:] + 1e-5))
    desc = jnp.stack(descs, axis=2)

    outs = []
    for i in range(_NF):
        di = desc[:, i].reshape(_P * _NROT, _NG)
        ci = jnp.dot(di, W_ref[i],
                     preferred_element_type=jnp.float32) + bc_ref[i]
        outs.append(jnp.max(ci.reshape(_P, _NROT, _NG), axis=1))
    out_ref[...] = jnp.concatenate(outs, axis=1)


def _head1_body(h_ref, g1_ref, b1_ref, W1_ref, bb1_ref, g2_ref, b2_ref,
                cov_ref):
    h = h_ref[...]
    h = jnp.maximum(h * g1_ref[...] + b1_ref[...], 0.0)
    h = jnp.dot(h, W1_ref[...],
                preferred_element_type=jnp.float32) + bb1_ref[...]
    h = jnp.maximum(h * g2_ref[...] + b2_ref[...], 0.0)
    for b in range(_B):
        hb = h[b * _MINP:(b + 1) * _MINP]
        cov_ref[b] = jax.lax.dot_general(
            hb, hb, (((0,), (0,)), ((), ())),
            preferred_element_type=jnp.float32) * (1.0 / _MINP)


def _head2_body(flat_ref, W2_ref, bb2_ref, g3_ref, b3_ref, W3_ref, bb3_ref,
                out_ref):
    z = jnp.maximum(jnp.dot(flat_ref[...], W2_ref[...],
                            preferred_element_type=jnp.float32)
                    + bb2_ref[...], 0.0)
    z = z * g3_ref[...] + b3_ref[...]
    out_ref[...] = jnp.dot(z, W3_ref[...],
                           preferred_element_type=jnp.float32) + bb3_ref[...]


def kernel(x, mu_rho, mu_theta, sigma_rho, sigma_theta, b_conv, W_conv,
           bn1_gamma, bn1_beta, dense1_W, dense1_b, bn2_gamma, bn2_beta,
           dense2_W, dense2_b, bn3_gamma, bn3_beta, dense3_W, dense3_b,
           sample_idx):
    idx = _NPOCK * _NV * _NF
    featf = x[:, :idx].reshape(_B * _NPOCK, 1, _NV * _NF)
    rest = x[:, idx:].reshape(_B, 3, _NPOCK, _NV)
    rho_a = rest[:, 0].reshape(_B * _NPOCK, 1, _NV)
    th_a = rest[:, 1].reshape(_B * _NPOCK, 1, _NV)
    msk_a = rest[:, 2].reshape(_B * _NPOCK, 1, _NV)
    j = jnp.arange(_NV * _NF, dtype=jnp.int32)
    perm = jax.nn.one_hot((j % _NF) * _ROWW + j // _NF, _NF * _ROWW,
                          dtype=jnp.float32)
    row_spec = pl.BlockSpec((32, 1, _NV), lambda p: (p, 0, 0))
    table = pl.pallas_call(
        _pack_body,
        grid=(8,),
        in_specs=[pl.BlockSpec((32, 1, _NV * _NF), lambda p: (p, 0, 0)),
                  pl.BlockSpec((_NV * _NF, _NF * _ROWW), lambda p: (0, 0)),
                  row_spec, row_spec, row_spec],
        out_specs=pl.BlockSpec((32, _NF + 3, _ROWW), lambda p: (p, 0, 0)),
        out_shape=jax.ShapeDtypeStruct((_B * _NPOCK, _NF + 3, _ROWW),
                                       jnp.float32),
    )(featf, perm, rho_a, th_a, msk_a)

    gidx = (jnp.arange(_B, dtype=jnp.int32)[:, None] * _NPOCK
            + sample_idx).reshape(-1)

    gathered = pl.kernel(
        _gather_body,
        out_type=jax.ShapeDtypeStruct((_NPATCH, _NF + 3, _ROWW), jnp.float32),
        mesh=plsc.VectorSubcoreMesh(core_axis_name="c", subcore_axis_name="s"),
        scratch_types=[
            pltpu.VMEM((_NPATCH // _GW,), jnp.int32),
            pltpu.VMEM((_NPATCH // _GW, _NF + 3, _ROWW), jnp.float32),
            pltpu.SemaphoreType.DMA,
        ],
    )(table, gidx)

    eps = 1e-5
    inv_sr = jax.lax.rsqrt(sigma_rho[0, 0, 0] ** 2 + eps)
    inv_st = jax.lax.rsqrt(sigma_theta[0, 0, 0] ** 2 + eps)
    mur = (mu_rho[0, 0] * inv_sr).reshape(1, _NG, 1)
    mut = (mu_theta[0, 0, :_NTH] * inv_st).reshape(1, _NTH, 1)
    gam = jnp.stack([inv_sr, inv_st]).reshape(1, 2)

    h = pl.pallas_call(
        _conv_body,
        grid=(_NPATCH // _P,),
        in_specs=[
            pl.BlockSpec((_P, _NF + 3, _ROWW), lambda p: (p, 0, 0)),
            pl.BlockSpec((1, _NG, 1), lambda p: (0, 0, 0)),
            pl.BlockSpec((1, _NTH, 1), lambda p: (0, 0, 0)),
            pl.BlockSpec((1, 2), lambda p: (0, 0)),
            pl.BlockSpec((_NF, _NG, _NG), lambda p: (0, 0, 0)),
            pl.BlockSpec((_NF, _NG), lambda p: (0, 0)),
        ],
        out_specs=pl.BlockSpec((_P, _NF * _NG), lambda p: (p, 0)),
        out_shape=jax.ShapeDtypeStruct((_NPATCH, _NF * _NG), jnp.float32),
    )(gathered, mur, mut, gam, W_conv, b_conv)

    s = np.float32(1.0 / np.sqrt(1.0 + 1e-3))
    g1 = (bn1_gamma * s).reshape(1, -1)
    b1 = bn1_beta.reshape(1, -1)
    g2 = (bn2_gamma * s).reshape(1, -1)
    b2 = bn2_beta.reshape(1, -1)
    g3 = (bn3_gamma * s).reshape(1, -1)
    b3 = bn3_beta.reshape(1, -1)

    cov = pl.pallas_call(
        _head1_body,
        out_shape=jax.ShapeDtypeStruct((_B, _NG, _NG), jnp.float32),
    )(h, g1, b1, dense1_W, dense1_b.reshape(1, -1), g2, b2)
    flat = cov.reshape(_B, _NG * _NG)
    out = pl.pallas_call(
        _head2_body,
        out_shape=jax.ShapeDtypeStruct((_B, _NLIG), jnp.float32),
    )(flat, dense2_W, dense2_b.reshape(1, -1), g3, b3, dense3_W,
      dense3_b.reshape(1, -1))
    return out

# --- scband reference (transcript-rebuilt; emitter-appended) ---
"""Pipeline reference for scband-ma-sif-ligand-57827439673345 (READ-ONLY COPY).

The authoritative reference and input builder live on the scoring server;
editing this copy changes nothing except your own understanding.
"""

import jax, jax.numpy as jnp
import numpy as np

B = 4
NPOCK = 64
MINP = 32
NVERT = 200
NFEAT = 5
NTH = 16
NRH = 5
NG = NTH * NRH
NROT = 16
MAXRHO = 12.0
NLIG = 7


def _initial_coords():
    grid_rho = np.linspace(0.0, MAXRHO, NRH + 1)[1:]
    grid_theta = np.linspace(0.0, 2.0 * np.pi, NTH + 1)[:-1]
    gr, gt = np.meshgrid(grid_rho, grid_theta)
    gr = gr.T.flatten().astype(np.float32)
    gt = gt.T.flatten().astype(np.float32)
    return gr, gt


def setup_inputs(seed: int = 0):
    key = jax.random.key(seed)
    ks = jax.random.split(key, 10)
    input_feat = jax.random.normal(ks[0], (B, NPOCK, NVERT, NFEAT), dtype=jnp.float32)
    rho = jax.random.uniform(ks[1], (B, NPOCK, NVERT, 1), dtype=jnp.float32) * MAXRHO
    theta = jax.random.uniform(ks[2], (B, NPOCK, NVERT, 1), dtype=jnp.float32) * (2.0 * np.pi)
    mask = jnp.ones((B, NPOCK, NVERT, 1), dtype=jnp.float32)
    rest = jnp.stack([rho, theta, mask], axis=1)
    x = jnp.concatenate([input_feat.reshape(B, -1), rest.reshape(B, -1)], axis=1)
    sample_idx = jnp.stack([jax.random.permutation(jax.random.fold_in(key, 1000 + b), NPOCK)[:MINP] for b in range(B)]).astype(jnp.int32)
    gr, gt = _initial_coords()
    mu_rho = jnp.tile(jnp.asarray(gr)[None, None, :], (NFEAT, 1, 1))
    mu_theta = jnp.tile(jnp.asarray(gt)[None, None, :], (NFEAT, 1, 1))
    sigma_rho = jnp.full((NFEAT, 1, NG), MAXRHO / 8.0, dtype=jnp.float32)
    sigma_theta = jnp.full((NFEAT, 1, NG), 1.0, dtype=jnp.float32)
    b_conv = jnp.zeros((NFEAT, NG), dtype=jnp.float32)
    lim = float(np.sqrt(6.0 / (NG + NG)))
    W_conv = jax.random.uniform(ks[3], (NFEAT, NG, NG), minval=-lim, maxval=lim, dtype=jnp.float32)
    d1 = NFEAT * NG
    dense1_W = jax.random.normal(ks[4], (d1, NG), dtype=jnp.float32) * 0.05
    dense1_b = jnp.zeros((NG,), jnp.float32)
    dense2_W = jax.random.normal(ks[5], (NG * NG, 64), dtype=jnp.float32) * 0.02
    dense2_b = jnp.zeros((64,), jnp.float32)
    dense3_W = jax.random.normal(ks[6], (64, NLIG), dtype=jnp.float32) * 0.1
    dense3_b = jnp.zeros((NLIG,), jnp.float32)
    bn1_gamma = jnp.ones((d1,), jnp.float32)
    bn1_beta = jnp.zeros((d1,), jnp.float32)
    bn2_gamma = jnp.ones((NG,), jnp.float32)
    bn2_beta = jnp.zeros((NG,), jnp.float32)
    bn3_gamma = jnp.ones((64,), jnp.float32)
    bn3_beta = jnp.zeros((64,), jnp.float32)
    return {"x": x, "mu_rho": mu_rho, "mu_theta": mu_theta, "sigma_rho": sigma_rho, "sigma_theta": sigma_theta, "b_conv": b_conv, "W_conv": W_conv, "bn1_gamma": bn1_gamma, "bn1_beta": bn1_beta, "dense1_W": dense1_W, "dense1_b": dense1_b, "bn2_gamma": bn2_gamma, "bn2_beta": bn2_beta, "dense2_W": dense2_W, "dense2_b": dense2_b, "bn3_gamma": bn3_gamma, "bn3_beta": bn3_beta, "dense3_W": dense3_W, "dense3_b": dense3_b, "sample_idx": sample_idx}


def _bn(h, gamma, beta, eps=1e-3):
    # inference-mode BatchNorm with moving_mean=0, moving_var=1
    return h / jnp.sqrt(1.0 + eps) * gamma + beta


def _forward(x, mu_rho, mu_theta, sigma_rho, sigma_theta, b_conv, W_conv, bn1_gamma, bn1_beta, dense1_W, dense1_b, bn2_gamma, bn2_beta, dense2_W, dense2_b, bn3_gamma, bn3_beta, dense3_W, dense3_b, sample_idx):
    eps = 1e-5
    idx = NPOCK * NVERT * NFEAT
    input_feat = x[:, :idx].reshape(B, NPOCK, NVERT, NFEAT)
    rest = x[:, idx:].reshape(B, 3, NPOCK, NVERT, 1)
    bidx = jnp.arange(B)[:, None]
    feat_s = input_feat[bidx, sample_idx]
    rho_s = rest[:, 0][bidx, sample_idx]
    th_s = rest[:, 1][bidx, sample_idx]
    mask_s = rest[:, 2][bidx, sample_idx]
    rets = []
    for i in range(NFEAT):
        fi = feat_s[..., i:i + 1]
        convs = []
        for k in range(NROT):
            r_ = rho_s.reshape(B, -1, 1)
            t_ = th_s.reshape(B, -1, 1) + k * 2.0 * np.pi / NROT
            t_ = jnp.mod(t_, 2.0 * np.pi)
            rg = jnp.exp(-jnp.square(r_ - mu_rho[i]) / (jnp.square(sigma_rho[i]) + eps))
            tg = jnp.exp(-jnp.square(t_ - mu_theta[i]) / (jnp.square(sigma_theta[i]) + eps))
            g = (rg * tg).reshape(B, MINP, NVERT, NG) * mask_s
        
            g = g / (jnp.sum(g, axis=2, keepdims=True) + eps)
            desc = jnp.sum(g[:, :, :, None, :] * fi[:, :, :, :, None], axis=2).reshape(B, MINP, NG)
            convs.append(jnp.matmul(desc, W_conv[i]) + b_conv[i])
        rets.append(jnp.max(jnp.stack(convs, axis=0), axis=0))
    h = jnp.stack(rets, axis=2).reshape(B, MINP, NFEAT * NG)
    h = jax.nn.relu(_bn(h, bn1_gamma, bn1_beta))
    h = jnp.matmul(h, dense1_W) + dense1_b
    h = jax.nn.relu(_bn(h, bn2_gamma, bn2_beta))
    cov = jnp.matmul(jnp.transpose(h, (0, 2, 1)), h) / float(MINP)
    flat = cov.reshape(B, NG * NG)
    h2 = jax.nn.relu(jnp.matmul(flat, dense2_W) + dense2_b)
    h2 = _bn(h2, bn3_gamma, bn3_beta)
    return jnp.matmul(h2, dense3_W) + dense3_b


def reference(x, mu_rho, mu_theta, sigma_rho, sigma_theta, b_conv, W_conv, bn1_gamma, bn1_beta, dense1_W, dense1_b, bn2_gamma, bn2_beta, dense2_W, dense2_b, bn3_gamma, bn3_beta, dense3_W, dense3_b, sample_idx):
    return _forward(x, mu_rho, mu_theta, sigma_rho, sigma_theta, b_conv, W_conv, bn1_gamma, bn1_beta, dense1_W, dense1_b, bn2_gamma, bn2_beta, dense2_W, dense2_b, bn3_gamma, bn3_beta, dense3_W, dense3_b, sample_idx)

if __name__ == "__main__":
    import jax
    _d = setup_inputs()
    print(jax.jit(kernel)(*tuple(_d.values())))

</pallas_src>

<mosaic_0001>
#map = affine_map<(d0, d1) -> (0, 0, 0)>
#map1 = affine_map<(d0, d1) -> (0)>
module attributes {stable_mosaic.version = 14 : i64} {
  func.func @_gather_body(%arg0: i32, %arg1: i32, %arg2: memref<256x8x256xf32, #tpu.memory_space<hbm>>, %arg3: memref<128xi32, #tpu.memory_space<hbm>>, %arg4: memref<128x8x256xf32, #tpu.memory_space<hbm>>, %arg5: memref<8xi32, #tpu.memory_space<vmem>>, %arg6: memref<8x8x256xf32, #tpu.memory_space<vmem>>, %arg7: memref<!tpu.dma_semaphore, #tpu.memory_space<semaphore_mem>>) attributes {dimension_semantics = [#tpu.dimension_semantics<core_parallel>, #tpu.dimension_semantics<subcore_parallel>], iteration_bounds = array<i64: 2, 16>, scalar_prefetch = 0 : i64, scratch_operands = 3 : i64, tpu.core_type = #tpu.core_type<sc_vector_subcore>, window_params = [{transform_indices = #map}, {transform_indices = #map1}, {transform_indices = #map}]} {
    %mul3A = arith.constant 2 : i32
    %mul3A_0 = arith.muli %arg1, %mul3A : i32
    %add3A = arith.addi %mul3A_0, %arg0 : i32
    %lt3A = arith.constant 16 : i32
    %lt3A_1 = arith.cmpi slt, %add3A, %lt3A : i32
    %convert_element_type3A = arith.extui %lt3A_1 : i1 to i32
    %cond3A = arith.constant 0 : i32
    %cond3A_2 = arith.cmpi ne, %convert_element_type3A, %cond3A : i32
    scf.if %cond3A_2 {
      %mul3A_3 = arith.constant 8 : i32
      %mul3A_4 = arith.muli %add3A, %mul3A_3 : i32
      "tpu.region"() ({
        %run_scoped3A = tpu.sem_alloc : memref<!tpu.dma_semaphore, #tpu.memory_space<semaphore_mem>>
        %dma_start3A_11 = tpu.memref_slice %arg3[%mul3A_4] : memref<128xi32, #tpu.memory_space<hbm>> -> memref<8xi32, #tpu.memory_space<hbm>>
        %dma_start3A_12 = tpu.memref_slice %arg3[%mul3A_4] : memref<128xi32, #tpu.memory_space<hbm>> -> memref<8xi32, #tpu.memory_space<hbm>>
        tpu.enqueue_dma source(%dma_start3A_12 : memref<8xi32, #tpu.memory_space<hbm>>) target(%arg5 : memref<8xi32, #tpu.memory_space<vmem>>) target_semaphore(%run_scoped3A : memref<!tpu.dma_semaphore, #tpu.memory_space<semaphore_mem>>)
        %dma_wait3A_13 = tpu.memref_slice %arg3[%mul3A_4] : memref<128xi32, #tpu.memory_space<hbm>> -> memref<8xi32, #tpu.memory_space<hbm>>
        %dma_wait3A_14 = tpu.memref_slice %arg3[%mul3A_4] : memref<128xi32, #tpu.memory_space<hbm>> -> memref<8xi32, #tpu.memory_space<hbm>>
        tpu.wait_dma2 semaphore(%run_scoped3A : memref<!tpu.dma_semaphore, #tpu.memory_space<semaphore_mem>>) src(%dma_wait3A_14 : memref<8xi32, #tpu.memory_space<hbm>>) dst(%arg5 : memref<8xi32, #tpu.memory_space<vmem>>)
        tpu.yield
      }) : () -> ()
      %dma_start3A = arith.constant 0 : i32
      %dma_start3A_5 = arith.constant 0 : i32
      %dma_start3A_6 = arith.constant 0 : i32
      %dma_start3A_7 = tpu.memref_slice %arg2[%dma_start3A, %dma_start3A_5, %dma_start3A_6] : memref<256x8x256xf32, #tpu.memory_space<hbm>> -> memref<256x8x256xf32, #tpu.memory_space<hbm>>
      tpu.enqueue_indirect_dma source(%dma_start3A_7 : memref<256x8x256xf32, #tpu.memory_space<hbm>>) target(%arg6 : memref<8x8x256xf32, #tpu.memory_space<vmem>>) offsets(%arg5 : memref<8xi32, #tpu.memory_space<vmem>>) semaphore(%arg7 : memref<!tpu.dma_semaphore, #tpu.memory_space<semaphore_mem>>)
      %dma_wait3A = arith.constant 0 : i32
      %dma_wait3A_8 = arith.constant 0 : i32
      %dma_wait3A_9 = arith.constant 0 : i32
      %dma_wait3A_10 = tpu.memref_slice %arg2[%dma_wait3A, %dma_wait3A_8, %dma_wait3A_9] : memref<256x8x256xf32, #tpu.memory_space<hbm>> -> memref<256x8x256xf32, #tpu.memory_space<hbm>>
      tpu.wait_indirect_dma semaphore(%arg7 : memref<!tpu.dma_semaphore, #tpu.memory_space<semaphore_mem>>) src(%dma_wait3A_10 : memref<256x8x256xf32, #tpu.memory_space<hbm>>) dst(%arg6 : memref<8x8x256xf32, #tpu.memory_space<vmem>>)
      "tpu.region"() ({
        %run_scoped3A = tpu.sem_alloc : memref<!tpu.dma_semaphore, #tpu.memory_space<semaphore_mem>>
        %dma_start3A_11 = arith.constant 0 : i32
        %dma_start3A_12 = arith.constant 0 : i32
        %dma_start3A_13 = tpu.memref_slice %arg4[%mul3A_4, %dma_start3A_11, %dma_start3A_12] : memref<128x8x256xf32, #tpu.memory_space<hbm>> -> memref<8x8x256xf32, #tpu.memory_space<hbm>>
        %dma_start3A_14 = arith.constant 0 : i32
        %dma_start3A_15 = arith.constant 0 : i32
        %dma_start3A_16 = tpu.memref_slice %arg4[%mul3A_4, %dma_start3A_14, %dma_start3A_15] : memref<128x8x256xf32, #tpu.memory_space<hbm>> -> memref<8x8x256xf32, #tpu.memory_space<hbm>>
        tpu.enqueue_dma source(%arg6 : memref<8x8x256xf32, #tpu.memory_space<vmem>>) target(%dma_start3A_16 : memref<8x8x256xf32, #tpu.memory_space<hbm>>) target_semaphore(%run_scoped3A : memref<!tpu.dma_semaphore, #tpu.memory_space<semaphore_mem>>)
        %dma_wait3A_17 = arith.constant 0 : i32
        %dma_wait3A_18 = arith.constant 0 : i32
        %dma_wait3A_19 = tpu.memref_slice %arg4[%mul3A_4, %dma_wait3A_17, %dma_wait3A_18] : memref<128x8x256xf32, #tpu.memory_space<hbm>> -> memref<8x8x256xf32, #tpu.memory_space<hbm>>
        %dma_wait3A_20 = arith.constant 0 : i32
        %dma_wait3A_21 = arith.constant 0 : i32
        %dma_wait3A_22 = tpu.memref_slice %arg4[%mul3A_4, %dma_wait3A_20, %dma_wait3A_21] : memref<128x8x256xf32, #tpu.memory_space<hbm>> -> memref<8x8x256xf32, #tpu.memory_space<hbm>>
        tpu.wait_dma2 semaphore(%run_scoped3A : memref<!tpu.dma_semaphore, #tpu.memory_space<semaphore_mem>>) src(%arg6 : memref<8x8x256xf32, #tpu.memory_space<vmem>>) dst(%dma_wait3A_22 : memref<8x8x256xf32, #tpu.memory_space<hbm>>)
        tpu.yield
      }) : () -> ()
    } else {
    }
    return
  }
}

module attributes {stable_mosaic.version = 14 : i64} {
  func.func @_pack_body(%arg0: i32, %arg1: memref<32x1x1000xf32, #tpu.memory_space<vmem>>, %arg2: memref<1000x1280xf32, #tpu.memory_space<vmem>>, %arg3: memref<32x1x200xf32, #tpu.memory_space<vmem>>, %arg4: memref<32x1x200xf32, #tpu.memory_space<vmem>>, %arg5: memref<32x1x200xf32, #tpu.memory_space<vmem>>, %arg6: memref<32x8x256xf32, #tpu.memory_space<vmem>>) attributes {dimension_semantics = [#tpu.dimension_semantics<arbitrary>], iteration_bounds = array<i64: 8>, scalar_prefetch = 0 : i64, scratch_operands = 0 : i64, tpu.core_type = #tpu.core_type<tc>, window_params = [{transform_indices = @transform_0, window_bounds = array<i64: 32, 1, 1000>}, {pipeline_mode = #tpu.pipeline_mode<synchronous>, transform_indices = @transform_1, window_bounds = array<i64: 1000, 1280>}, {transform_indices = @transform_2, window_bounds = array<i64: 32, 1, 200>}, {transform_indices = @transform_3, window_bounds = array<i64: 32, 1, 200>}, {transform_indices = @transform_4, window_bounds = array<i64: 32, 1, 200>}, {transform_indices = @transform_5, window_bounds = array<i64: 32, 8, 256>}]} {
    %get3A = arith.constant 0 : index
    %get3A_0 = arith.constant 0 : index
    %get3A_1 = arith.constant 0 : index
    %get3A_2 = vector.load %arg1[%get3A, %get3A_0, %get3A_1] : memref<32x1x1000xf32, #tpu.memory_space<vmem>>, vector<32x1x1000xf32>
    %reshape3A = vector.shape_cast %get3A_2 : vector<32x1x1000xf32> to vector<32x1000xf32>
    %get3A_3 = arith.constant 0 : index
    %get3A_4 = arith.constant 0 : index
    %get3A_5 = vector.load %arg2[%get3A_3, %get3A_4] : memref<1000x1280xf32, #tpu.memory_space<vmem>>, vector<1000x1280xf32>
    %dot_general3A = arith.constant dense<0.000000e+00> : vector<32x1280xf32>
    %dot_general3A_6 = tpu.matmul %reshape3A, %get3A_5, %dot_general3A {dimension_numbers = #tpu.dot_dimension_numbers<[1], [0], [0], [1], [0, 0, 1, 1], [], []>, transpose_lhs_hint = false} : vector<32x1000xf32>, vector<1000x1280xf32>, vector<32x1280xf32> -> vector<32x1280xf32>
    %slice3A = vector.extract_strided_slice %dot_general3A_6 {offsets = [0, 0], sizes = [32, 256], strides = [1, 1]} : vector<32x1280xf32> to vector<32x256xf32>
    %broadcast_in_dim3A = vector.shape_cast %slice3A : vector<32x256xf32> to vector<32x1x256xf32>
    %slice3A_7 = vector.extract_strided_slice %dot_general3A_6 {offsets = [0, 256], sizes = [32, 256], strides = [1, 1]} : vector<32x1280xf32> to vector<32x256xf32>
    %broadcast_in_dim3A_8 = vector.shape_cast %slice3A_7 : vector<32x256xf32> to vector<32x1x256xf32>
    %slice3A_9 = vector.extract_strided_slice %dot_general3A_6 {offsets = [0, 512], sizes = [32, 256], strides = [1, 1]} : vector<32x1280xf32> to vector<32x256xf32>
    %broadcast_in_dim3A_10 = vector.shape_cast %slice3A_9 : vector<32x256xf32> to vector<32x1x256xf32>
    %slice3A_11 = vector.extract_strided_slice %dot_general3A_6 {offsets = [0, 768], sizes = [32, 256], strides = [1, 1]} : vector<32x1280xf32> to vector<32x256xf32>
    %broadcast_in_dim3A_12 = vector.shape_cast %slice3A_11 : vector<32x256xf32> to vector<32x1x256xf32>
    %slice3A_13 = vector.extract_strided_slice %dot_general3A_6 {offsets = [0, 1024], sizes = [32, 256], strides = [1, 1]} : vector<32x1280xf32> to vector<32x256xf32>
    %broadcast_in_dim3A_14 = vector.shape_cast %slice3A_13 : vector<32x256xf32> to vector<32x1x256xf32>
    %get3A_15 = arith.constant 0 : index
    %get3A_16 = arith.constant 0 : index
    %get3A_17 = arith.constant 0 : index
    %get3A_18 = vector.load %arg3[%get3A_15, %get3A_16, %get3A_17] : memref<32x1x200xf32, #tpu.memory_space<vmem>>, vector<32x1x200xf32>
    %jit3A = arith.constant 0 : i32
    %convert_element_type3A = arith.sitofp %jit3A : i32 to f32
    %pad3A = vector.broadcast %convert_element_type3A : f32 to vector<32x1x56xf32>
    %pad3A_19 = tpu.concatenate %get3A_18, %pad3A in 2 : vector<32x1x200xf32>, vector<32x1x56xf32> -> vector<32x1x256xf32>
    %get3A_20 = arith.constant 0 : index
    %get3A_21 = arith.constant 0 : index
    %get3A_22 = arith.constant 0 : index
    %get3A_23 = vector.load %arg4[%get3A_20, %get3A_21, %get3A_22] : memref<32x1x200xf32, #tpu.memory_space<vmem>>, vector<32x1x200xf32>
    %jit3A_24 = arith.constant 0 : i32
    %convert_element_type3A_25 = arith.sitofp %jit3A_24 : i32 to f32
    %pad3A_26 = vector.broadcast %convert_element_type3A_25 : f32 to vector<32x1x56xf32>
    %pad3A_27 = tpu.concatenate %get3A_23, %pad3A_26 in 2 : vector<32x1x200xf32>, vector<32x1x56xf32> -> vector<32x1x256xf32>
    %get3A_28 = arith.constant 0 : index
    %get3A_29 = arith.constant 0 : index
    %get3A_30 = arith.constant 0 : index
    %get3A_31 = vector.load %arg5[%get3A_28, %get3A_29, %get3A_30] : memref<32x1x200xf32, #tpu.memory_space<vmem>>, vector<32x1x200xf32>
    %jit3A_32 = arith.constant 0 : i32
    %convert_element_type3A_33 = arith.sitofp %jit3A_32 : i32 to f32
    %pad3A_34 = vector.broadcast %convert_element_type3A_33 : f32 to vector<32x1x56xf32>
    %pad3A_35 = tpu.concatenate %get3A_31, %pad3A_34 in 2 : vector<32x1x200xf32>, vector<32x1x56xf32> -> vector<32x1x256xf32>
    %concatenate3A = tpu.concatenate %broadcast_in_dim3A, %broadcast_in_dim3A_8, %broadcast_in_dim3A_10, %broadcast_in_dim3A_12, %broadcast_in_dim3A_14, %pad3A_19, %pad3A_27, %pad3A_35 in 1 : vector<32x1x256xf32>, vector<32x1x256xf32>, vector<32x1x256xf32>, vector<32x1x256xf32>, vector<32x1x256xf32>, vector<32x1x256xf32>, vector<32x1x256xf32>, vector<32x1x256xf32> -> vector<32x8x256xf32>
    %swap3A = arith.constant 0 : index
    %swap3A_36 = arith.constant 0 : index
    %swap3A_37 = arith.constant 0 : index
    %swap3A_38 = vector.load %arg6[%swap3A, %swap3A_36, %swap3A_37] : memref<32x8x256xf32, #tpu.memory_space<vmem>>, vector<32x8x256xf32>
    tpu.vector_store %arg6[%swap3A, %swap3A_36, %swap3A_37], %concatenate3A {strides = array<i32>} : memref<32x8x256xf32, #tpu.memory_space<vmem>>, vector<32x8x256xf32>,
    return
  }
  func.func @transform_0(%arg0: i32) -> (i32, i32, i32) {
    %c0_i32 = arith.constant 0 : i32
    %c0_i32_0 = arith.constant 0 : i32
    %c0_i32_1 = arith.constant 0 : i32
    return %arg0, %c0_i32, %c0_i32_0 : i32, i32, i32
  }
  func.func @transform_1(%arg0: i32) -> (i32, i32) {
    %c0_i32 = arith.constant 0 : i32
    %c0_i32_0 = arith.constant 0 : i32
    %c0_i32_1 = arith.constant 0 : i32
    return %c0_i32, %c0_i32_0 : i32, i32
  }
  func.func @transform_2(%arg0: i32) -> (i32, i32, i32) {
    %c0_i32 = arith.constant 0 : i32
    %c0_i32_0 = arith.constant 0 : i32
    %c0_i32_1 = arith.constant 0 : i32
    return %arg0, %c0_i32, %c0_i32_0 : i32, i32, i32
  }
  func.func @transform_3(%arg0: i32) -> (i32, i32, i32) {
    %c0_i32 = arith.constant 0 : i32
    %c0_i32_0 = arith.constant 0 : i32
    %c0_i32_1 = arith.constant 0 : i32
    return %arg0, %c0_i32, %c0_i32_0 : i32, i32, i32
  }
  func.func @transform_4(%arg0: i32) -> (i32, i32, i32) {
    %c0_i32 = arith.constant 0 : i32
    %c0_i32_0 = arith.constant 0 : i32
    %c0_i32_1 = arith.constant 0 : i32
    return %arg0, %c0_i32, %c0_i32_0 : i32, i32, i32
  }
  func.func @transform_5(%arg0: i32) -> (i32, i32, i32) {
    %c0_i32 = arith.constant 0 : i32
    %c0_i32_0 = arith.constant 0 : i32
    %c0_i32_1 = arith.constant 0 : i32
    return %arg0, %c0_i32, %c0_i32_0 : i32, i32, i32
  }
}

module attributes {stable_mosaic.version = 14 : i64} {
  func.func @_conv_body(%arg0: i32, %arg1: memref<8x8x256xf32, #tpu.memory_space<vmem>>, %arg2: memref<1x80x1xf32, #tpu.memory_space<vmem>>, %arg3: memref<1x16x1xf32, #tpu.memory_space<vmem>>, %arg4: memref<1x2xf32, #tpu.memory_space<vmem>>, %arg5: memref<5x80x80xf32, #tpu.memory_space<vmem>>, %arg6: memref<5x80xf32, #tpu.memory_space<vmem>>, %arg7: memref<8x400xf32, #tpu.memory_space<vmem>>) attributes {dimension_semantics = [#tpu.dimension_semantics<arbitrary>], iteration_bounds = array<i64: 16>, scalar_prefetch = 0 : i64, scratch_operands = 0 : i64, tpu.core_type = #tpu.core_type<tc>, window_params = [{transform_indices = @transform_0, window_bounds = array<i64: 8, 8, 256>}, {pipeline_mode = #tpu.pipeline_mode<synchronous>, transform_indices = @transform_1, window_bounds = array<i64: 1, 80, 1>}, {pipeline_mode = #tpu.pipeline_mode<synchronous>, transform_indices = @transform_2, window_bounds = array<i64: 1, 16, 1>}, {pipeline_mode = #tpu.pipeline_mode<synchronous>, transform_indices = @transform_3, window_bounds = array<i64: 1, 2>}, {pipeline_mode = #tpu.pipeline_mode<synchronous>, transform_indices = @transform_4, window_bounds = array<i64: 5, 80, 80>}, {pipeline_mode = #tpu.pipeline_mode<synchronous>, transform_indices = @transform_5, window_bounds = array<i64: 5, 80>}, {transform_indices = @transform_6, window_bounds = array<i64: 8, 400>}]} {
    %get3A = arith.constant 0 : index
    %get3A_0 = arith.constant 0 : index
    %get3A_1 = arith.constant 0 : index
    %get3A_2 = vector.load %arg1[%get3A, %get3A_0, %get3A_1] : memref<8x8x256xf32, #tpu.memory_space<vmem>>, vector<8x8x256xf32>
    %slice3A = vector.extract_strided_slice %get3A_2 {offsets = [0, 0, 0], sizes = [8, 5, 200], strides = [1, 1, 1]} : vector<8x8x256xf32> to vector<8x5x200xf32>
    %slice3A_3 = vector.extract_strided_slice %get3A_2 {offsets = [0, 5, 0], sizes = [8, 1, 200], strides = [1, 1, 1]} : vector<8x8x256xf32> to vector<8x1x200xf32>
    %squeeze3A = vector.shape_cast %slice3A_3 : vector<8x1x200xf32> to vector<8x200xf32>
    %slice3A_4 = vector.extract_strided_slice %get3A_2 {offsets = [0, 6, 0], sizes = [8, 1, 200], strides = [1, 1, 1]} : vector<8x8x256xf32> to vector<8x1x200xf32>
    %squeeze3A_5 = vector.shape_cast %slice3A_4 : vector<8x1x200xf32> to vector<8x200xf32>
    %slice3A_6 = vector.extract_strided_slice %get3A_2 {offsets = [0, 7, 0], sizes = [8, 1, 200], strides = [1, 1, 1]} : vector<8x8x256xf32> to vector<8x1x200xf32>
    %squeeze3A_7 = vector.shape_cast %slice3A_6 : vector<8x1x200xf32> to vector<8x200xf32>
    %get3A_8 = arith.constant 0 : index
    %get3A_9 = arith.constant 0 : index
    %get3A_10 = vector.load %arg4[%get3A_8, %get3A_9] : memref<1x2xf32, #tpu.memory_space<vmem>>, vector<1x1xf32>
    %get3A_11 = vector.extract %get3A_10[0, 0] : f32 from vector<1x1xf32>
    %get3A_12 = arith.constant 0 : index
    %get3A_13 = arith.constant 1 : index
    %get3A_14 = vector.load %arg4[%get3A_12, %get3A_13] : memref<1x2xf32, #tpu.memory_space<vmem>>, vector<1x1xf32>
    %get3A_15 = vector.extract %get3A_14[0, 0] : f32 from vector<1x1xf32>
    %get3A_16 = arith.constant 0 : index
    %get3A_17 = arith.constant 0 : index
    %get3A_18 = arith.constant 0 : index
    %get3A_19 = vector.load %arg2[%get3A_16, %get3A_17, %get3A_18] : memref<1x80x1xf32, #tpu.memory_space<vmem>>, vector<1x80x1xf32>
    %get3A_20 = arith.constant 0 : index
    %get3A_21 = arith.constant 0 : index
    %get3A_22 = arith.constant 0 : index
    %get3A_23 = vector.load %arg3[%get3A_20, %get3A_21, %get3A_22] : memref<1x16x1xf32, #tpu.memory_space<vmem>>, vector<1x16x1xf32>
    %mul3A = vector.broadcast %get3A_11 : f32 to vector<8x200xf32>
    %mul3A_24 = arith.mulf %squeeze3A, %mul3A : vector<8x200xf32>
    %broadcast_in_dim3A = vector.shape_cast %mul3A_24 : vector<8x200xf32> to vector<8x1x200xf32>
    %sub3A = vector.broadcast %broadcast_in_dim3A : vector<8x1x200xf32> to vector<8x80x200xf32>
    %sub3A_25 = vector.broadcast %get3A_19 : vector<1x80x1xf32> to vector<8x80x200xf32>
    %sub3A_26 = arith.subf %sub3A, %sub3A_25 : vector<8x80x200xf32>
    %mul3A_27 = arith.mulf %sub3A_26, %sub3A_26 : vector<8x80x200xf32>
    %neg3A = arith.constant 0.000000e+00 : f32
    %neg3A_28 = vector.broadcast %neg3A : f32 to vector<8x80x200xf32>
    %neg3A_29 = arith.subf %neg3A_28, %mul3A_27 : vector<8x80x200xf32>
    %exp3A = math.exp %neg3A_29 : vector<8x80x200xf32>
    %broadcast_in_dim3A_30 = vector.shape_cast %squeeze3A_7 : vector<8x200xf32> to vector<8x1x200xf32>
    %mul3A_31 = vector.broadcast %broadcast_in_dim3A_30 : vector<8x1x200xf32> to vector<8x80x200xf32>
    %mul3A_32 = arith.mulf %exp3A, %mul3A_31 : vector<8x80x200xf32>
    %broadcast_in_dim3A_33 = arith.constant 1.000000e+00 : f32
    %broadcast_in_dim3A_34 = vector.broadcast %broadcast_in_dim3A_33 : f32 to vector<8x1x200xf32>
    %concatenate3A = tpu.concatenate %slice3A, %broadcast_in_dim3A_34 in 1 : vector<8x5x200xf32>, vector<8x1x200xf32> -> vector<8x6x200xf32>
    %broadcast_in_dim3A_35 = vector.shape_cast %squeeze3A_5 : vector<8x200xf32> to vector<8x1x200xf32>
    %reshape3A = vector.shape_cast %mul3A_32 : vector<8x80x200xf32> to vector<8x5x16x200xf32>
    %add3A = arith.constant 0.000000e+00 : f32
    %add3A_36 = vector.broadcast %add3A : f32 to vector<8x1x200xf32>
    %add3A_37 = arith.addf %broadcast_in_dim3A_35, %add3A_36 : vector<8x1x200xf32>
    %jit3A = arith.constant 6.28318548 : f32
    %rem3A = vector.broadcast %jit3A : f32 to vector<8x1x200xf32>
    %rem3A_38 = arith.remf %add3A_37, %rem3A : vector<8x1x200xf32>
    %ne3A = arith.constant 0.000000e+00 : f32
    %ne3A_39 = vector.broadcast %ne3A : f32 to vector<8x1x200xf32>
    %ne3A_40 = arith.cmpf one, %rem3A_38, %ne3A_39 : vector<8x1x200xf32>
    %lt3A = arith.constant 0.000000e+00 : f32
    %lt3A_41 = vector.broadcast %lt3A : f32 to vector<8x1x200xf32>
    %lt3A_42 = arith.cmpf olt, %rem3A_38, %lt3A_41 : vector<8x1x200xf32>
    %lt3A_43 = arith.constant 0.000000e+00 : f32
    %lt3A_44 = arith.cmpf olt, %jit3A, %lt3A_43 : f32
    %ne3A_45 = vector.broadcast %lt3A_44 : i1 to vector<8x1x200xi1>
    %ne3A_46 = vector.broadcast %ne3A_45 : vector<8x1x200xi1> to vector<8x1x200xi1>
    %ne3A_47 = arith.xori %lt3A_42, %ne3A_46 : vector<8x1x200xi1>
    %and3A = arith.andi %ne3A_47, %ne3A_40 : vector<8x1x200xi1>
    %add3A_48 = vector.broadcast %jit3A : f32 to vector<8x1x200xf32>
    %add3A_49 = arith.addf %rem3A_38, %add3A_48 : vector<8x1x200xf32>
    %select_n3A = arith.select %and3A, %add3A_49, %rem3A_38 : vector<8x1x200xi1>, vector<8x1x200xf32>
    %mul3A_50 = vector.broadcast %get3A_15 : f32 to vector<8x1x200xf32>
    %mul3A_51 = arith.mulf %select_n3A, %mul3A_50 : vector<8x1x200xf32>
    %sub3A_52 = vector.broadcast %mul3A_51 : vector<8x1x200xf32> to vector<8x16x200xf32>
    %sub3A_53 = vector.broadcast %get3A_23 : vector<1x16x1xf32> to vector<8x16x200xf32>
    %sub3A_54 = arith.subf %sub3A_52, %sub3A_53 : vector<8x16x200xf32>
    %mul3A_55 = arith.mulf %sub3A_54, %sub3A_54 : vector<8x16x200xf32>
    %neg3A_56 = arith.constant 0.000000e+00 : f32
    %neg3A_57 = vector.broadcast %neg3A_56 : f32 to vector<8x16x200xf32>
    %neg3A_58 = arith.subf %neg3A_57, %mul3A_55 : vector<8x16x200xf32>
    %exp3A_59 = math.exp %neg3A_58 : vector<8x16x200xf32>
    %broadcast_in_dim3A_60 = vector.shape_cast %exp3A_59 : vector<8x16x200xf32> to vector<8x1x16x200xf32>
    %mul3A_61 = vector.broadcast %broadcast_in_dim3A_60 : vector<8x1x16x200xf32> to vector<8x5x16x200xf32>
    %mul3A_62 = arith.mulf %reshape3A, %mul3A_61 : vector<8x5x16x200xf32>
    %reshape3A_63 = vector.shape_cast %mul3A_62 : vector<8x5x16x200xf32> to vector<8x80x200xf32>
    %dot_general3A = arith.constant dense<0.000000e+00> : vector<8x6x80xf32>
    %dot_general3A_64 = tpu.matmul %concatenate3A, %reshape3A_63, %dot_general3A {dimension_numbers = #tpu.dot_dimension_numbers<[2], [2], [1], [1], [0, 0, 0, 1, 1, 1], [0], [0]>, transpose_lhs_hint = false} : vector<8x6x200xf32>, vector<8x80x200xf32>, vector<8x6x80xf32> -> vector<8x6x80xf32>
    %slice3A_65 = vector.extract_strided_slice %dot_general3A_64 {offsets = [0, 0, 0], sizes = [8, 5, 80], strides = [1, 1, 1]} : vector<8x6x80xf32> to vector<8x5x80xf32>
    %slice3A_66 = vector.extract_strided_slice %dot_general3A_64 {offsets = [0, 5, 0], sizes = [8, 1, 80], strides = [1, 1, 1]} : vector<8x6x80xf32> to vector<8x1x80xf32>
    %add3A_67 = arith.constant 9.99999974E-6 : f32
    %add3A_68 = vector.broadcast %add3A_67 : f32 to vector<8x1x80xf32>
    %add3A_69 = arith.addf %slice3A_66, %add3A_68 : vector<8x1x80xf32>
    %div3A = vector.broadcast %add3A_69 : vector<8x1x80xf32> to vector<8x5x80xf32>
    %div3A_70 = arith.divf %slice3A_65, %div3A : vector<8x5x80xf32>
    %add3A_71 = arith.constant 0.392699093 : f32
    %add3A_72 = vector.broadcast %add3A_71 : f32 to vector<8x1x200xf32>
    %add3A_73 = arith.addf %broadcast_in_dim3A_35, %add3A_72 : vector<8x1x200xf32>
    %jit3A_74 = arith.constant 6.28318548 : f32
    %rem3A_75 = vector.broadcast %jit3A_74 : f32 to vector<8x1x200xf32>
    %rem3A_76 = arith.remf %add3A_73, %rem3A_75 : vector<8x1x200xf32>
    %ne3A_77 = arith.constant 0.000000e+00 : f32
    %ne3A_78 = vector.broadcast %ne3A_77 : f32 to vector<8x1x200xf32>
    %ne3A_79 = arith.cmpf one, %rem3A_76, %ne3A_78 : vector<8x1x200xf32>
    %lt3A_80 = arith.constant 0.000000e+00 : f32
    %lt3A_81 = vector.broadcast %lt3A_80 : f32 to vector<8x1x200xf32>
    %lt3A_82 = arith.cmpf olt, %rem3A_76, %lt3A_81 : vector<8x1x200xf32>
    %lt3A_83 = arith.constant 0.000000e+00 : f32
    %lt3A_84 = arith.cmpf olt, %jit3A_74, %lt3A_83 : f32
    %ne3A_85 = vector.broadcast %lt3A_84 : i1 to vector<8x1x200xi1>
    %ne3A_86 = vector.broadcast %ne3A_85 : vector<8x1x200xi1> to vector<8x1x200xi1>
    %ne3A_87 = arith.xori %lt3A_82, %ne3A_86 : vector<8x1x200xi1>
    %and3A_88 = arith.andi %ne3A_87, %ne3A_79 : vector<8x1x200xi1>
    %add3A_89 = vector.broadcast %jit3A_74 : f32 to vector<8x1x200xf32>
    %add3A_90 = arith.addf %rem3A_76, %add3A_89 : vector<8x1x200xf32>
    %select_n3A_91 = arith.select %and3A_88, %add3A_90, %rem3A_76 : vector<8x1x200xi1>, vector<8x1x200xf32>
    %mul3A_92 = vector.broadcast %get3A_15 : f32 to vector<8x1x200xf32>
    %mul3A_93 = arith.mulf %select_n3A_91, %mul3A_92 : vector<8x1x200xf32>
    %sub3A_94 = vector.broadcast %mul3A_93 : vector<8x1x200xf32> to vector<8x16x200xf32>
    %sub3A_95 = vector.broadcast %get3A_23 : vector<1x16x1xf32> to vector<8x16x200xf32>
    %sub3A_96 = arith.subf %sub3A_94, %sub3A_95 : vector<8x16x200xf32>
    %mul3A_97 = arith.mulf %sub3A_96, %sub3A_96 : vector<8x16x200xf32>
    %neg3A_98 = arith.constant 0.000000e+00 : f32
    %neg3A_99 = vector.broadcast %neg3A_98 : f32 to vector<8x16x200xf32>
    %neg3A_100 = arith.subf %neg3A_99, %mul3A_97 : vector<8x16x200xf32>
    %exp3A_101 = math.exp %neg3A_100 : vector<8x16x200xf32>
    %broadcast_in_dim3A_102 = vector.shape_cast %exp3A_101 : vector<8x16x200xf32> to vector<8x1x16x200xf32>
    %mul3A_103 = vector.broadcast %broadcast_in_dim3A_102 : vector<8x1x16x200xf32> to vector<8x5x16x200xf32>
    %mul3A_104 = arith.mulf %reshape3A, %mul3A_103 : vector<8x5x16x200xf32>
    %reshape3A_105 = vector.shape_cast %mul3A_104 : vector<8x5x16x200xf32> to vector<8x80x200xf32>
    %dot_general3A_106 = arith.constant dense<0.000000e+00> : vector<8x6x80xf32>
    %dot_general3A_107 = tpu.matmul %concatenate3A, %reshape3A_105, %dot_general3A_106 {dimension_numbers = #tpu.dot_dimension_numbers<[2], [2], [1], [1], [0, 0, 0, 1, 1, 1], [0], [0]>, transpose_lhs_hint = false} : vector<8x6x200xf32>, vector<8x80x200xf32>, vector<8x6x80xf32> -> vector<8x6x80xf32>
    %slice3A_108 = vector.extract_strided_slice %dot_general3A_107 {offsets = [0, 0, 0], sizes = [8, 5, 80], strides = [1, 1, 1]} : vector<8x6x80xf32> to vector<8x5x80xf32>
    %slice3A_109 = vector.extract_strided_slice %dot_general3A_107 {offsets = [0, 5, 0], sizes = [8, 1, 80], strides = [1, 1, 1]} : vector<8x6x80xf32> to vector<8x1x80xf32>
    %add3A_110 = arith.constant 9.99999974E-6 : f32
    %add3A_111 = vector.broadcast %add3A_110 : f32 to vector<8x1x80xf32>
    %add3A_112 = arith.addf %slice3A_109, %add3A_111 : vector<8x1x80xf32>
    %div3A_113 = vector.broadcast %add3A_112 : vector<8x1x80xf32> to vector<8x5x80xf32>
    %div3A_114 = arith.divf %slice3A_108, %div3A_113 : vector<8x5x80xf32>
    %add3A_115 = arith.constant 0.785398185 : f32
    %add3A_116 = vector.broadcast %add3A_115 : f32 to vector<8x1x200xf32>
    %add3A_117 = arith.addf %broadcast_in_dim3A_35, %add3A_116 : vector<8x1x200xf32>
    %jit3A_118 = arith.constant 6.28318548 : f32
    %rem3A_119 = vector.broadcast %jit3A_118 : f32 to vector<8x1x200xf32>
    %rem3A_120 = arith.remf %add3A_117, %rem3A_119 : vector<8x1x200xf32>
    %ne3A_121 = arith.constant 0.000000e+00 : f32
    %ne3A_122 = vector.broadcast %ne3A_121 : f32 to vector<8x1x200xf32>
    %ne3A_123 = arith.cmpf one, %rem3A_120, %ne3A_122 : vector<8x1x200xf32>
    %lt3A_124 = arith.constant 0.000000e+00 : f32
    %lt3A_125 = vector.broadcast %lt3A_124 : f32 to vector<8x1x200xf32>
    %lt3A_126 = arith.cmpf olt, %rem3A_120, %lt3A_125 : vector<8x1x200xf32>
    %lt3A_127 = arith.constant 0.000000e+00 : f32
    %lt3A_128 = arith.cmpf olt, %jit3A_118, %lt3A_127 : f32
    %ne3A_129 = vector.broadcast %lt3A_128 : i1 to vector<8x1x200xi1>
    %ne3A_130 = vector.broadcast %ne3A_129 : vector<8x1x200xi1> to vector<8x1x200xi1>
    %ne3A_131 = arith.xori %lt3A_126, %ne3A_130 : vector<8x1x200xi1>
    %and3A_132 = arith.andi %ne3A_131, %ne3A_123 : vector<8x1x200xi1>
    %add3A_133 = vector.broadcast %jit3A_118 : f32 to vector<8x1x200xf32>
    %add3A_134 = arith.addf %rem3A_120, %add3A_133 : vector<8x1x200xf32>
    %select_n3A_135 = arith.select %and3A_132, %add3A_134, %rem3A_120 : vector<8x1x200xi1>, vector<8x1x200xf32>
    %mul3A_136 = vector.broadcast %get3A_15 : f32 to vector<8x1x200xf32>
    %mul3A_137 = arith.mulf %select_n3A_135, %mul3A_136 : vector<8x1x200xf32>
    %sub3A_138 = vector.broadcast %mul3A_137 : vector<8x1x200xf32> to vector<8x16x200xf32>
    %sub3A_139 = vector.broadcast %get3A_23 : vector<1x16x1xf32> to vector<8x16x200xf32>
    %sub3A_140 = arith.subf %sub3A_138, %sub3A_139 : vector<8x16x200xf32>
    %mul3A_141 = arith.mulf %sub3A_140, %sub3A_140 : vector<8x16x200xf32>
    %neg3A_142 = arith.constant 0.000000e+00 : f32
    %neg3A_143 = vector.broadcast %neg3A_142 : f32 to vector<8x16x200xf32>
    %neg3A_144 = arith.subf %neg3A_143, %mul3A_141 : vector<8x16x200xf32>
    %exp3A_145 = math.exp %neg3A_144 : vector<8x16x200xf32>
    %broadcast_in_dim3A_146 = vector.shape_cast %exp3A_145 : vector<8x16x200xf32> to vector<8x1x16x200xf32>
    %mul3A_147 = vector.broadcast %broadcast_in_dim3A_146 : vector<8x1x16x200xf32> to vector<8x5x16x200xf32>
    %mul3A_148 = arith.mulf %reshape3A, %mul3A_147 : vector<8x5x16x200xf32>
    %reshape3A_149 = vector.shape_cast %mul3A_148 : vector<8x5x16x200xf32> to vector<8x80x200xf32>
    %dot_general3A_150 = arith.constant dense<0.000000e+00> : vector<8x6x80xf32>
    %dot_general3A_151 = tpu.matmul %concatenate3A, %reshape3A_149, %dot_general3A_150 {dimension_numbers = #tpu.dot_dimension_numbers<[2], [2], [1], [1], [0, 0, 0, 1, 1, 1], [0], [0]>, transpose_lhs_hint = false} : vector<8x6x200xf32>, vector<8x80x200xf32>, vector<8x6x80xf32> -> vector<8x6x80xf32>
    %slice3A_152 = vector.extract_strided_slice %dot_general3A_151 {offsets = [0, 0, 0], sizes = [8, 5, 80], strides = [1, 1, 1]} : vector<8x6x80xf32> to vector<8x5x80xf32>
    %slice3A_153 = vector.extract_strided_slice %dot_general3A_151 {offsets = [0, 5, 0], sizes = [8, 1, 80], strides = [1, 1, 1]} : vector<8x6x80xf32> to vector<8x1x80xf32>
    %add3A_154 = arith.constant 9.99999974E-6 : f32
    %add3A_155 = vector.broadcast %add3A_154 : f32 to vector<8x1x80xf32>
    %add3A_156 = arith.addf %slice3A_153, %add3A_155 : vector<8x1x80xf32>
    %div3A_157 = vector.broadcast %add3A_156 : vector<8x1x80xf32> to vector<8x5x80xf32>
    %div3A_158 = arith.divf %slice3A_152, %div3A_157 : vector<8x5x80xf32>
    %add3A_159 = arith.constant 1.17809725 : f32
    %add3A_160 = vector.broadcast %add3A_159 : f32 to vector<8x1x200xf32>
    %add3A_161 = arith.addf %broadcast_in_dim3A_35, %add3A_160 : vector<8x1x200xf32>
    %jit3A_162 = arith.constant 6.28318548 : f32
    %rem3A_163 = vector.broadcast %jit3A_162 : f32 to vector<8x1x200xf32>
    %rem3A_164 = arith.remf %add3A_161, %rem3A_163 : vector<8x1x200xf32>
    %ne3A_165 = arith.constant 0.000000e+00 : f32
    %ne3A_166 = vector.broadcast %ne3A_165 : f32 to vector<8x1x200xf32>
    %ne3A_167 = arith.cmpf one, %rem3A_164, %ne3A_166 : vector<8x1x200xf32>
    %lt3A_168 = arith.constant 0.000000e+00 : f32
    %lt3A_169 = vector.broadcast %lt3A_168 : f32 to vector<8x1x200xf32>
    %lt3A_170 = arith.cmpf olt, %rem3A_164, %lt3A_169 : vector<8x1x200xf32>
    %lt3A_171 = arith.constant 0.000000e+00 : f32
    %lt3A_172 = arith.cmpf olt, %jit3A_162, %lt3A_171 : f32
    %ne3A_173 = vector.broadcast %lt3A_172 : i1 to vector<8x1x200xi1>
    %ne3A_174 = vector.broadcast %ne3A_173 : vector<8x1x200xi1> to vector<8x1x200xi1>
    %ne3A_175 = arith.xori %lt3A_170, %ne3A_174 : vector<8x1x200xi1>
    %and3A_176 = arith.andi %ne3A_175, %ne3A_167 : vector<8x1x200xi1>
    %add3A_177 = vector.broadcast %jit3A_162 : f32 to vector<8x1x200xf32>
    %add3A_178 = arith.addf %rem3A_164, %add3A_177 : vector<8x1x200xf32>
    %select_n3A_179 = arith.select %and3A_176, %add3A_178, %rem3A_164 : vector<8x1x200xi1>, vector<8x1x200xf32>
    %mul3A_180 = vector.broadcast %get3A_15 : f32 to vector<8x1x200xf32>
    %mul3A_181 = arith.mulf %select_n3A_179, %mul3A_180 : vector<8x1x200xf32>
    %sub3A_182 = vector.broadcast %mul3A_181 : vector<8x1x200xf32> to vector<8x16x200xf32>
    %sub3A_183 = vector.broadcast %get3A_23 : vector<1x16x1xf32> to vector<8x16x200xf32>
    %sub3A_184 = arith.subf %sub3A_182, %sub3A_183 : vector<8x16x200xf32>
    %mul3A_185 = arith.mulf %sub3A_184, %sub3A_184 : vector<8x16x200xf32>
    %neg3A_186 = arith.constant 0.000000e+00 : f32
    %neg3A_187 = vector.broadcast %neg3A_186 : f32 to vector<8x16x200xf32>
    %neg3A_188 = arith.subf %neg3A_187, %mul3A_185 : vector<8x16x200xf32>
    %exp3A_189 = math.exp %neg3A_188 : vector<8x16x200xf32>
    %broadcast_in_dim3A_190 = vector.shape_cast %exp3A_189 : vector<8x16x200xf32> to vector<8x1x16x200xf32>
    %mul3A_191 = vector.broadcast %broadcast_in_dim3A_190 : vector<8x1x16x200xf32> to vector<8x5x16x200xf32>
    %mul3A_192 = arith.mulf %reshape3A, %mul3A_191 : vector<8x5x16x200xf32>
    %reshape3A_193 = vector.shape_cast %mul3A_192 : vector<8x5x16x200xf32> to vector<8x80x200xf32>
    %dot_general3A_194 = arith.constant dense<0.000000e+00> : vector<8x6x80xf32>
    %dot_general3A_195 = tpu.matmul %concatenate3A, %reshape3A_193, %dot_general3A_194 {dimension_numbers = #tpu.dot_dimension_numbers<[2], [2], [1], [1], [0, 0, 0, 1, 1, 1], [0], [0]>, transpose_lhs_hint = false} : vector<8x6x200xf32>, vector<8x80x200xf32>, vector<8x6x80xf32> -> vector<8x6x80xf32>
    %slice3A_196 = vector.extract_strided_slice %dot_general3A_195 {offsets = [0, 0, 0], sizes = [8, 5, 80], strides = [1, 1, 1]} : vector<8x6x80xf32> to vector<8x5x80xf32>
    %slice3A_197 = vector.extract_strided_slice %dot_general3A_195 {offsets = [0, 5, 0], sizes = [8, 1, 80], strides = [1, 1, 1]} : vector<8x6x80xf32> to vector<8x1x80xf32>
    %add3A_198 = arith.constant 9.99999974E-6 : f32
    %add3A_199 = vector.broadcast %add3A_198 : f32 to vector<8x1x80xf32>
    %add3A_200 = arith.addf %slice3A_197, %add3A_199 : vector<8x1x80xf32>
    %div3A_201 = vector.broadcast %add3A_200 : vector<8x1x80xf32> to vector<8x5x80xf32>
    %div3A_202 = arith.divf %slice3A_196, %div3A_201 : vector<8x5x80xf32>
    %add3A_203 = arith.constant 1.57079637 : f32
    %add3A_204 = vector.broadcast %add3A_203 : f32 to vector<8x1x200xf32>
    %add3A_205 = arith.addf %broadcast_in_dim3A_35, %add3A_204 : vector<8x1x200xf32>
    %jit3A_206 = arith.constant 6.28318548 : f32
    %rem3A_207 = vector.broadcast %jit3A_206 : f32 to vector<8x1x200xf32>
    %rem3A_208 = arith.remf %add3A_205, %rem3A_207 : vector<8x1x200xf32>
    %ne3A_209 = arith.constant 0.000000e+00 : f32
    %ne3A_210 = vector.broadcast %ne3A_209 : f32 to vector<8x1x200xf32>
    %ne3A_211 = arith.cmpf one, %rem3A_208, %ne3A_210 : vector<8x1x200xf32>
    %lt3A_212 = arith.constant 0.000000e+00 : f32
    %lt3A_213 = vector.broadcast %lt3A_212 : f32 to vector<8x1x200xf32>
    %lt3A_214 = arith.cmpf olt, %rem3A_208, %lt3A_213 : vector<8x1x200xf32>
    %lt3A_215 = arith.constant 0.000000e+00 : f32
    %lt3A_216 = arith.cmpf olt, %jit3A_206, %lt3A_215 : f32
    %ne3A_217 = vector.broadcast %lt3A_216 : i1 to vector<8x1x200xi1>
    %ne3A_218 = vector.broadcast %ne3A_217 : vector<8x1x200xi1> to vector<8x1x200xi1>
    %ne3A_219 = arith.xori %lt3A_214, %ne3A_218 : vector<8x1x200xi1>
    %and3A_220 = arith.andi %ne3A_219, %ne3A_211 : vector<8x1x200xi1>
    %add3A_221 = vector.broadcast %jit3A_206 : f32 to vector<8x1x200xf32>
    %add3A_222 = arith.addf %rem3A_208, %add3A_221 : vector<8x1x200xf32>
    %select_n3A_223 = arith.select %and3A_220, %add3A_222, %rem3A_208 : vector<8x1x200xi1>, vector<8x1x200xf32>
    %mul3A_224 = vector.broadcast %get3A_15 : f32 to vector<8x1x200xf32>
    %mul3A_225 = arith.mulf %select_n3A_223, %mul3A_224 : vector<8x1x200xf32>
    %sub3A_226 = vector.broadcast %mul3A_225 : vector<8x1x200xf32> to vector<8x16x200xf32>
    %sub3A_227 = vector.broadcast %get3A_23 : vector<1x16x1xf32> to vector<8x16x200xf32>
    %sub3A_228 = arith.subf %sub3A_226, %sub3A_227 : vector<8x16x200xf32>
    %mul3A_229 = arith.mulf %sub3A_228, %sub3A_228 : vector<8x16x200xf32>
    %neg3A_230 = arith.constant 0.000000e+00 : f32
    %neg3A_231 = vector.broadcast %neg3A_230 : f32 to vector<8x16x200xf32>
    %neg3A_232 = arith.subf %neg3A_231, %mul3A_229 : vector<8x16x200xf32>
    %exp3A_233 = math.exp %neg3A_232 : vector<8x16x200xf32>
    %broadcast_in_dim3A_234 = vector.shape_cast %exp3A_233 : vector<8x16x200xf32> to vector<8x1x16x200xf32>
    %mul3A_235 = vector.broadcast %broadcast_in_dim3A_234 : vector<8x1x16x200xf32> to vector<8x5x16x200xf32>
    %mul3A_236 = arith.mulf %reshape3A, %mul3A_235 : vector<8x5x16x200xf32>
    %reshape3A_237 = vector.shape_cast %mul3A_236 : vector<8x5x16x200xf32> to vector<8x80x200xf32>
    %dot_general3A_238 = arith.constant dense<0.000000e+00> : vector<8x6x80xf32>
    %dot_general3A_239 = tpu.matmul %concatenate3A, %reshape3A_237, %dot_general3A_238 {dimension_numbers = #tpu.dot_dimension_numbers<[2], [2], [1], [1], [0, 0, 0, 1, 1, 1], [0], [0]>, transpose_lhs_hint = false} : vector<8x6x200xf32>, vector<8x80x200xf32>, vector<8x6x80xf32> -> vector<8x6x80xf32>
    %slice3A_240 = vector.extract_strided_slice %dot_general3A_239 {offsets = [0, 0, 0], sizes = [8, 5, 80], strides = [1, 1, 1]} : vector<8x6x80xf32> to vector<8x5x80xf32>
    %slice3A_241 = vector.extract_strided_slice %dot_general3A_239 {offsets = [0, 5, 0], sizes = [8, 1, 80], strides = [1, 1, 1]} : vector<8x6x80xf32> to vector<8x1x80xf32>
    %add3A_242 = arith.constant 9.99999974E-6 : f32
    %add3A_243 = vector.broadcast %add3A_242 : f32 to vector<8x1x80xf32>
    %add3A_244 = arith.addf %slice3A_241, %add3A_243 : vector<8x1x80xf32>
    %div3A_245 = vector.broadcast %add3A_244 : vector<8x1x80xf32> to vector<8x5x80xf32>
    %div3A_246 = arith.divf %slice3A_240, %div3A_245 : vector<8x5x80xf32>
    %add3A_247 = arith.constant 1.96349537 : f32
    %add3A_248 = vector.broadcast %add3A_247 : f32 to vector<8x1x200xf32>
    %add3A_249 = arith.addf %broadcast_in_dim3A_35, %add3A_248 : vector<8x1x200xf32>
    %jit3A_250 = arith.constant 6.28318548 : f32
    %rem3A_251 = vector.broadcast %jit3A_250 : f32 to vector<8x1x200xf32>
    %rem3A_252 = arith.remf %add3A_249, %rem3A_251 : vector<8x1x200xf32>
    %ne3A_253 = arith.constant 0.000000e+00 : f32
    %ne3A_254 = vector.broadcast %ne3A_253 : f32 to vector<8x1x200xf32>
    %ne3A_255 = arith.cmpf one, %rem3A_252, %ne3A_254 : vector<8x1x200xf32>
    %lt3A_256 = arith.constant 0.000000e+00 : f32
    %lt3A_257 = vector.broadcast %lt3A_256 : f32 to vector<8x1x200xf32>
    %lt3A_258 = arith.cmpf olt, %rem3A_252, %lt3A_257 : vector<8x1x200xf32>
    %lt3A_259 = arith.constant 0.000000e+00 : f32
    %lt3A_260 = arith.cmpf olt, %jit3A_250, %lt3A_259 : f32
    %ne3A_261 = vector.broadcast %lt3A_260 : i1 to vector<8x1x200xi1>
    %ne3A_262 = vector.broadcast %ne3A_261 : vector<8x1x200xi1> to vector<8x1x200xi1>
    %ne3A_263 = arith.xori %lt3A_258, %ne3A_262 : vector<8x1x200xi1>
    %and3A_264 = arith.andi %ne3A_263, %ne3A_255 : vector<8x1x200xi1>
    %add3A_265 = vector.broadcast %jit3A_250 : f32 to vector<8x1x200xf32>
    %add3A_266 = arith.addf %rem3A_252, %add3A_265 : vector<8x1x200xf32>
    %select_n3A_267 = arith.select %and3A_264, %add3A_266, %rem3A_252 : vector<8x1x200xi1>, vector<8x1x200xf32>
    %mul3A_268 = vector.broadcast %get3A_15 : f32 to vector<8x1x200xf32>
    %mul3A_269 = arith.mulf %select_n3A_267, %mul3A_268 : vector<8x1x200xf32>
    %sub3A_270 = vector.broadcast %mul3A_269 : vector<8x1x200xf32> to vector<8x16x200xf32>
    %sub3A_271 = vector.broadcast %get3A_23 : vector<1x16x1xf32> to vector<8x16x200xf32>
    %sub3A_272 = arith.subf %sub3A_270, %sub3A_271 : vector<8x16x200xf32>
    %mul3A_273 = arith.mulf %sub3A_272, %sub3A_272 : vector<8x16x200xf32>
    %neg3A_274 = arith.constant 0.000000e+00 : f32
    %neg3A_275 = vector.broadcast %neg3A_274 : f32 to vector<8x16x200xf32>
    %neg3A_276 = arith.subf %neg3A_275, %mul3A_273 : vector<8x16x200xf32>
    %exp3A_277 = math.exp %neg3A_276 : vector<8x16x200xf32>
    %broadcast_in_dim3A_278 = vector.shape_cast %exp3A_277 : vector<8x16x200xf32> to vector<8x1x16x200xf32>
    %mul3A_279 = vector.broadcast %broadcast_in_dim3A_278 : vector<8x1x16x200xf32> to vector<8x5x16x200xf32>
    %mul3A_280 = arith.mulf %reshape3A, %mul3A_279 : vector<8x5x16x200xf32>
    %reshape3A_281 = vector.shape_cast %mul3A_280 : vector<8x5x16x200xf32> to vector<8x80x200xf32>
    %dot_general3A_282 = arith.constant dense<0.000000e+00> : vector<8x6x80xf32>
    %dot_general3A_283 = tpu.matmul %concatenate3A, %reshape3A_281, %dot_general3A_282 {dimension_numbers = #tpu.dot_dimension_numbers<[2], [2], [1], [1], [0, 0, 0, 1, 1, 1], [0], [0]>, transpose_lhs_hint = false} : vector<8x6x200xf32>, vector<8x80x200xf32>, vector<8x6x80xf32> -> vector<8x6x80xf32>
    %slice3A_284 = vector.extract_strided_slice %dot_general3A_283 {offsets = [0, 0, 0], sizes = [8, 5, 80], strides = [1, 1, 1]} : vector<8x6x80xf32> to vector<8x5x80xf32>
    %slice3A_285 = vector.extract_strided_slice %dot_general3A_283 {offsets = [0, 5, 0], sizes = [8, 1, 80], strides = [1, 1, 1]} : vector<8x6x80xf32> to vector<8x1x80xf32>
    %add3A_286 = arith.constant 9.99999974E-6 : f32
    %add3A_287 = vector.broadcast %add3A_286 : f32 to vector<8x1x80xf32>
    %add3A_288 = arith.addf %slice3A_285, %add3A_287 : vector<8x1x80xf32>
    %div3A_289 = vector.broadcast %add3A_288 : vector<8x1x80xf32> to vector<8x5x80xf32>
    %div3A_290 = arith.divf %slice3A_284, %div3A_289 : vector<8x5x80xf32>
    %add3A_291 = arith.constant 2.3561945 : f32
    %add3A_292 = vector.broadcast %add3A_291 : f32 to vector<8x1x200xf32>
    %add3A_293 = arith.addf %broadcast_in_dim3A_35, %add3A_292 : vector<8x1x200xf32>
    %jit3A_294 = arith.constant 6.28318548 : f32
    %rem3A_295 = vector.broadcast %jit3A_294 : f32 to vector<8x1x200xf32>
    %rem3A_296 = arith.remf %add3A_293, %rem3A_295 : vector<8x1x200xf32>
    %ne3A_297 = arith.constant 0.000000e+00 : f32
    %ne3A_298 = vector.broadcast %ne3A_297 : f32 to vector<8x1x200xf32>
    %ne3A_299 = arith.cmpf one, %rem3A_296, %ne3A_298 : vector<8x1x200xf32>
    %lt3A_300 = arith.constant 0.000000e+00 : f32
    %lt3A_301 = vector.broadcast %lt3A_300 : f32 to vector<8x1x200xf32>
    %lt3A_302 = arith.cmpf olt, %rem3A_296, %lt3A_301 : vector<8x1x200xf32>
    %lt3A_303 = arith.constant 0.000000e+00 : f32
    %lt3A_304 = arith.cmpf olt, %jit3A_294, %lt3A_303 : f32
    %ne3A_305 = vector.broadcast %lt3A_304 : i1 to vector<8x1x200xi1>
    %ne3A_306 = vector.broadcast %ne3A_305 : vector<8x1x200xi1> to vector<8x1x200xi1>
    %ne3A_307 = arith.xori %lt3A_302, %ne3A_306 : vector<8x1x200xi1>
    %and3A_308 = arith.andi %ne3A_307, %ne3A_299 : vector<8x1x200xi1>
    %add3A_309 = vector.broadcast %jit3A_294 : f32 to vector<8x1x200xf32>
    %add3A_310 = arith.addf %rem3A_296, %add3A_309 : vector<8x1x200xf32>
    %select_n3A_311 = arith.select %and3A_308, %add3A_310, %rem3A_296 : vector<8x1x200xi1>, vector<8x1x200xf32>
    %mul3A_312 = vector.broadcast %get3A_15 : f32 to vector<8x1x200xf32>
    %mul3A_313 = arith.mulf %select_n3A_311, %mul3A_312 : vector<8x1x200xf32>
    %sub3A_314 = vector.broadcast %mul3A_313 : vector<8x1x200xf32> to vector<8x16x200xf32>
    %sub3A_315 = vector.broadcast %get3A_23 : vector<1x16x1xf32> to vector<8x16x200xf32>
    %sub3A_316 = arith.subf %sub3A_314, %sub3A_315 : vector<8x16x200xf32>
    %mul3A_317 = arith.mulf %sub3A_316, %sub3A_316 : vector<8x16x200xf32>
    %neg3A_318 = arith.constant 0.000000e+00 : f32
    %neg3A_319 = vector.broadcast %neg3A_318 : f32 to vector<8x16x200xf32>
    %neg3A_320 = arith.subf %neg3A_319, %mul3A_317 : vector<8x16x200xf32>
    %exp3A_321 = math.exp %neg3A_320 : vector<8x16x200xf32>
    %broadcast_in_dim3A_322 = vector.shape_cast %exp3A_321 : vector<8x16x200xf32> to vector<8x1x16x200xf32>
    %mul3A_323 = vector.broadcast %broadcast_in_dim3A_322 : vector<8x1x16x200xf32> to vector<8x5x16x200xf32>
    %mul3A_324 = arith.mulf %reshape3A, %mul3A_323 : vector<8x5x16x200xf32>
    %reshape3A_325 = vector.shape_cast %mul3A_324 : vector<8x5x16x200xf32> to vector<8x80x200xf32>
    %dot_general3A_326 = arith.constant dense<0.000000e+00> : vector<8x6x80xf32>
    %dot_general3A_327 = tpu.matmul %concatenate3A, %reshape3A_325, %dot_general3A_326 {dimension_numbers = #tpu.dot_dimension_numbers<[2], [2], [1], [1], [0, 0, 0, 1, 1, 1], [0], [0]>, transpose_lhs_hint = false} : vector<8x6x200xf32>, vector<8x80x200xf32>, vector<8x6x80xf32> -> vector<8x6x80xf32>
    %slice3A_328 = vector.extract_strided_slice %dot_general3A_327 {offsets = [0, 0, 0], sizes = [8, 5, 80], strides = [1, 1, 1]} : vector<8x6x80xf32> to vector<8x5x80xf32>
    %slice3A_329 = vector.extract_strided_slice %dot_general3A_327 {offsets = [0, 5, 0], sizes = [8, 1, 80], strides = [1, 1, 1]} : vector<8x6x80xf32> to vector<8x1x80xf32>
    %add3A_330 = arith.constant 9.99999974E-6 : f32
    %add3A_331 = vector.broadcast %add3A_330 : f32 to vector<8x1x80xf32>
    %add3A_332 = arith.addf %slice3A_329, %add3A_331 : vector<8x1x80xf32>
    %div3A_333 = vector.broadcast %add3A_332 : vector<8x1x80xf32> to vector<8x5x80xf32>
    %div3A_334 = arith.divf %slice3A_328, %div3A_333 : vector<8x5x80xf32>
    %add3A_335 = arith.constant 2.7488935 : f32
    %add3A_336 = vector.broadcast %add3A_335 : f32 to vector<8x1x200xf32>
    %add3A_337 = arith.addf %broadcast_in_dim3A_35, %add3A_336 : vector<8x1x200xf32>
    %jit3A_338 = arith.constant 6.28318548 : f32
    %rem3A_339 = vector.broadcast %jit3A_338 : f32 to vector<8x1x200xf32>
    %rem3A_340 = arith.remf %add3A_337, %rem3A_339 : vector<8x1x200xf32>
    %ne3A_341 = arith.constant 0.000000e+00 : f32
    %ne3A_342 = vector.broadcast %ne3A_341 : f32 to vector<8x1x200xf32>
    %ne3A_343 = arith.cmpf one, %rem3A_340, %ne3A_342 : vector<8x1x200xf32>
    %lt3A_344 = arith.constant 0.000000e+00 : f32
    %lt3A_345 = vector.broadcast %lt3A_344 : f32 to vector<8x1x200xf32>
    %lt3A_346 = arith.cmpf olt, %rem3A_340, %lt3A_345 : vector<8x1x200xf32>
    %lt3A_347 = arith.constant 0.000000e+00 : f32
    %lt3A_348 = arith.cmpf olt, %jit3A_338, %lt3A_347 : f32
    %ne3A_349 = vector.broadcast %lt3A_348 : i1 to vector<8x1x200xi1>
    %ne3A_350 = vector.broadcast %ne3A_349 : vector<8x1x200xi1> to vector<8x1x200xi1>
    %ne3A_351 = arith.xori %lt3A_346, %ne3A_350 : vector<8x1x200xi1>
    %and3A_352 = arith.andi %ne3A_351, %ne3A_343 : vector<8x1x200xi1>
    %add3A_353 = vector.broadcast %jit3A_338 : f32 to vector<8x1x200xf32>
    %add3A_354 = arith.addf %rem3A_340, %add3A_353 : vector<8x1x200xf32>
    %select_n3A_355 = arith.select %and3A_352, %add3A_354, %rem3A_340 : vector<8x1x200xi1>, vector<8x1x200xf32>
    %mul3A_356 = vector.broadcast %get3A_15 : f32 to vector<8x1x200xf32>
    %mul3A_357 = arith.mulf %select_n3A_355, %mul3A_356 : vector<8x1x200xf32>
    %sub3A_358 = vector.broadcast %mul3A_357 : vector<8x1x200xf32> to vector<8x16x200xf32>
    %sub3A_359 = vector.broadcast %get3A_23 : vector<1x16x1xf32> to vector<8x16x200xf32>
    %sub3A_360 = arith.subf %sub3A_358, %sub3A_359 : vector<8x16x200xf32>
    %mul3A_361 = arith.mulf %sub3A_360, %sub3A_360 : vector<8x16x200xf32>
    %neg3A_362 = arith.constant 0.000000e+00 : f32
    %neg3A_363 = vector.broadcast %neg3A_362 : f32 to vector<8x16x200xf32>
    %neg3A_364 = arith.subf %neg3A_363, %mul3A_361 : vector<8x16x200xf32>
    %exp3A_365 = math.exp %neg3A_364 : vector<8x16x200xf32>
    %broadcast_in_dim3A_366 = vector.shape_cast %exp3A_365 : vector<8x16x200xf32> to vector<8x1x16x200xf32>
    %mul3A_367 = vector.broadcast %broadcast_in_dim3A_366 : vector<8x1x16x200xf32> to vector<8x5x16x200xf32>
    %mul3A_368 = arith.mulf %reshape3A, %mul3A_367 : vector<8x5x16x200xf32>
    %reshape3A_369 = vector.shape_cast %mul3A_368 : vector<8x5x16x200xf32> to vector<8x80x200xf32>
    %dot_general3A_370 = arith.constant dense<0.000000e+00> : vector<8x6x80xf32>
    %dot_general3A_371 = tpu.matmul %concatenate3A, %reshape3A_369, %dot_general3A_370 {dimension_numbers = #tpu.dot_dimension_numbers<[2], [2], [1], [1], [0, 0, 0, 1, 1, 1], [0], [0]>, transpose_lhs_hint = false} : vector<8x6x200xf32>, vector<8x80x200xf32>, vector<8x6x80xf32> -> vector<8x6x80xf32>
    %slice3A_372 = vector.extract_strided_slice %dot_general3A_371 {offsets = [0, 0, 0], sizes = [8, 5, 80], strides = [1, 1, 1]} : vector<8x6x80xf32> to vector<8x5x80xf32>
    %slice3A_373 = vector.extract_strided_slice %dot_general3A_371 {offsets = [0, 5, 0], sizes = [8, 1, 80], strides = [1, 1, 1]} : vector<8x6x80xf32> to vector<8x1x80xf32>
    %add3A_374 = arith.constant 9.99999974E-6 : f32
    %add3A_375 = vector.broadcast %add3A_374 : f32 to vector<8x1x80xf32>
    %add3A_376 = arith.addf %slice3A_373, %add3A_375 : vector<8x1x80xf32>
    %div3A_377 = vector.broadcast %add3A_376 : vector<8x1x80xf32> to vector<8x5x80xf32>
    %div3A_378 = arith.divf %slice3A_372, %div3A_377 : vector<8x5x80xf32>
    %add3A_379 = arith.constant 3.14159274 : f32
    %add3A_380 = vector.broadcast %add3A_379 : f32 to vector<8x1x200xf32>
    %add3A_381 = arith.addf %broadcast_in_dim3A_35, %add3A_380 : vector<8x1x200xf32>
    %jit3A_382 = arith.constant 6.28318548 : f32
    %rem3A_383 = vector.broadcast %jit3A_382 : f32 to vector<8x1x200xf32>
    %rem3A_384 = arith.remf %add3A_381, %rem3A_383 : vector<8x1x200xf32>
    %ne3A_385 = arith.constant 0.000000e+00 : f32
    %ne3A_386 = vector.broadcast %ne3A_385 : f32 to vector<8x1x200xf32>
    %ne3A_387 = arith.cmpf one, %rem3A_384, %ne3A_386 : vector<8x1x200xf32>
    %lt3A_388 = arith.constant 0.000000e+00 : f32
    %lt3A_389 = vector.broadcast %lt3A_388 : f32 to vector<8x1x200xf32>
    %lt3A_390 = arith.cmpf olt, %rem3A_384, %lt3A_389 : vector<8x1x200xf32>
    %lt3A_391 = arith.constant 0.000000e+00 : f32
    %lt3A_392 = arith.cmpf olt, %jit3A_382, %lt3A_391 : f32
    %ne3A_393 = vector.broadcast %lt3A_392 : i1 to vector<8x1x200xi1>
    %ne3A_394 = vector.broadcast %ne3A_393 : vector<8x1x200xi1> to vector<8x1x200xi1>
    %ne3A_395 = arith.xori %lt3A_390, %ne3A_394 : vector<8x1x200xi1>
    %and3A_396 = arith.andi %ne3A_395, %ne3A_387 : vector<8x1x200xi1>
    %add3A_397 = vector.broadcast %jit3A_382 : f32 to vector<8x1x200xf32>
    %add3A_398 = arith.addf %rem3A_384, %add3A_397 : vector<8x1x200xf32>
    %select_n3A_399 = arith.select %and3A_396, %add3A_398, %rem3A_384 : vector<8x1x200xi1>, vector<8x1x200xf32>
    %mul3A_400 = vector.broadcast %get3A_15 : f32 to vector<8x1x200xf32>
    %mul3A_401 = arith.mulf %select_n3A_399, %mul3A_400 : vector<8x1x200xf32>
    %sub3A_402 = vector.broadcast %mul3A_401 : vector<8x1x200xf32> to vector<8x16x200xf32>
    %sub3A_403 = vector.broadcast %get3A_23 : vector<1x16x1xf32> to vector<8x16x200xf32>
    %sub3A_404 = arith.subf %sub3A_402, %sub3A_403 : vector<8x16x200xf32>
    %mul3A_405 = arith.mulf %sub3A_404, %sub3A_404 : vector<8x16x200xf32>
    %neg3A_406 = arith.constant 0.000000e+00 : f32
    %neg3A_407 = vector.broadcast %neg3A_406 : f32 to vector<8x16x200xf32>
    %neg3A_408 = arith.subf %neg3A_407, %mul3A_405 : vector<8x16x200xf32>
    %exp3A_409 = math.exp %neg3A_408 : vector<8x16x200xf32>
    %broadcast_in_dim3A_410 = vector.shape_cast %exp3A_409 : vector<8x16x200xf32> to vector<8x1x16x200xf32>
    %mul3A_411 = vector.broadcast %broadcast_in_dim3A_410 : vector<8x1x16x200xf32> to vector<8x5x16x200xf32>
    %mul3A_412 = arith.mulf %reshape3A, %mul3A_411 : vector<8x5x16x200xf32>
    %reshape3A_413 = vector.shape_cast %mul3A_412 : vector<8x5x16x200xf32> to vector<8x80x200xf32>
    %dot_general3A_414 = arith.constant dense<0.000000e+00> : vector<8x6x80xf32>
    %dot_general3A_415 = tpu.matmul %concatenate3A, %reshape3A_413, %dot_general3A_414 {dimension_numbers = #tpu.dot_dimension_numbers<[2], [2], [1], [1], [0, 0, 0, 1, 1, 1], [0], [0]>, transpose_lhs_hint = false} : vector<8x6x200xf32>, vector<8x80x200xf32>, vector<8x6x80xf32> -> vector<8x6x80xf32>
    %slice3A_416 = vector.extract_strided_slice %dot_general3A_415 {offsets = [0, 0, 0], sizes = [8, 5, 80], strides = [1, 1, 1]} : vector<8x6x80xf32> to vector<8x5x80xf32>
    %slice3A_417 = vector.extract_strided_slice %dot_general3A_415 {offsets = [0, 5, 0], sizes = [8, 1, 80], strides = [1, 1, 1]} : vector<8x6x80xf32> to vector<8x1x80xf32>
    %add3A_418 = arith.constant 9.99999974E-6 : f32
    %add3A_419 = vector.broadcast %add3A_418 : f32 to vector<8x1x80xf32>
    %add3A_420 = arith.addf %slice3A_417, %add3A_419 : vector<8x1x80xf32>
    %div3A_421 = vector.broadcast %add3A_420 : vector<8x1x80xf32> to vector<8x5x80xf32>
    %div3A_422 = arith.divf %slice3A_416, %div3A_421 : vector<8x5x80xf32>
    %add3A_423 = arith.constant 3.53429174 : f32
    %add3A_424 = vector.broadcast %add3A_423 : f32 to vector<8x1x200xf32>
    %add3A_425 = arith.addf %broadcast_in_dim3A_35, %add3A_424 : vector<8x1x200xf32>
    %jit3A_426 = arith.constant 6.28318548 : f32
    %rem3A_427 = vector.broadcast %jit3A_426 : f32 to vector<8x1x200xf32>
    %rem3A_428 = arith.remf %add3A_425, %rem3A_427 : vector<8x1x200xf32>
    %ne3A_429 = arith.constant 0.000000e+00 : f32
    %ne3A_430 = vector.broadcast %ne3A_429 : f32 to vector<8x1x200xf32>
    %ne3A_431 = arith.cmpf one, %rem3A_428, %ne3A_430 : vector<8x1x200xf32>
    %lt3A_432 = arith.constant 0.000000e+00 : f32
    %lt3A_433 = vector.broadcast %lt3A_432 : f32 to vector<8x1x200xf32>
    %lt3A_434 = arith.cmpf olt, %rem3A_428, %lt3A_433 : vector<8x1x200xf32>
    %lt3A_435 = arith.constant 0.000000e+00 : f32
    %lt3A_436 = arith.cmpf olt, %jit3A_426, %lt3A_435 : f32
    %ne3A_437 = vector.broadcast %lt3A_436 : i1 to vector<8x1x200xi1>
    %ne3A_438 = vector.broadcast %ne3A_437 : vector<8x1x200xi1> to vector<8x1x200xi1>
    %ne3A_439 = arith.xori %lt3A_434, %ne3A_438 : vector<8x1x200xi1>
    %and3A_440 = arith.andi %ne3A_439, %ne3A_431 : vector<8x1x200xi1>
    %add3A_441 = vector.broadcast %jit3A_426 : f32 to vector<8x1x200xf32>
    %add3A_442 = arith.addf %rem3A_428, %add3A_441 : vector<8x1x200xf32>
    %select_n3A_443 = arith.select %and3A_440, %add3A_442, %rem3A_428 : vector<8x1x200xi1>, vector<8x1x200xf32>
    %mul3A_444 = vector.broadcast %get3A_15 : f32 to vector<8x1x200xf32>
    %mul3A_445 = arith.mulf %select_n3A_443, %mul3A_444 : vector<8x1x200xf32>
    %sub3A_446 = vector.broadcast %mul3A_445 : vector<8x1x200xf32> to vector<8x16x200xf32>
    %sub3A_447 = vector.broadcast %get3A_23 : vector<1x16x1xf32> to vector<8x16x200xf32>
    %sub3A_448 = arith.subf %sub3A_446, %sub3A_447 : vector<8x16x200xf32>
    %mul3A_449 = arith.mulf %sub3A_448, %sub3A_448 : vector<8x16x200xf32>
    %neg3A_450 = arith.constant 0.000000e+00 : f32
    %neg3A_451 = vector.broadcast %neg3A_450 : f32 to vector<8x16x200xf32>
    %neg3A_452 = arith.subf %neg3A_451, %mul3A_449 : vector<8x16x200xf32>
    %exp3A_453 = math.exp %neg3A_452 : vector<8x16x200xf32>
    %broadcast_in_dim3A_454 = vector.shape_cast %exp3A_453 : vector<8x16x200xf32> to vector<8x1x16x200xf32>
    %mul3A_455 = vector.broadcast %broadcast_in_dim3A_454 : vector<8x1x16x200xf32> to vector<8x5x16x200xf32>
    %mul3A_456 = arith.mulf %reshape3A, %mul3A_455 : vector<8x5x16x200xf32>
    %reshape3A_457 = vector.shape_cast %mul3A_456 : vector<8x5x16x200xf32> to vector<8x80x200xf32>
    %dot_general3A_458 = arith.constant dense<0.000000e+00> : vector<8x6x80xf32>
    %dot_general3A_459 = tpu.matmul %concatenate3A, %reshape3A_457, %dot_general3A_458 {dimension_numbers = #tpu.dot_dimension_numbers<[2], [2], [1], [1], [0, 0, 0, 1, 1, 1], [0], [0]>, transpose_lhs_hint = false} : vector<8x6x200xf32>, vector<8x80x200xf32>, vector<8x6x80xf32> -> vector<8x6x80xf32>
    %slice3A_460 = vector.extract_strided_slice %dot_general3A_459 {offsets = [0, 0, 0], sizes = [8, 5, 80], strides = [1, 1, 1]} : vector<8x6x80xf32> to vector<8x5x80xf32>
    %slice3A_461 = vector.extract_strided_slice %dot_general3A_459 {offsets = [0, 5, 0], sizes = [8, 1, 80], strides = [1, 1, 1]} : vector<8x6x80xf32> to vector<8x1x80xf32>
    %add3A_462 = arith.constant 9.99999974E-6 : f32
    %add3A_463 = vector.broadcast %add3A_462 : f32 to vector<8x1x80xf32>
    %add3A_464 = arith.addf %slice3A_461, %add3A_463 : vector<8x1x80xf32>
    %div3A_465 = vector.broadcast %add3A_464 : vector<8x1x80xf32> to vector<8x5x80xf32>
    %div3A_466 = arith.divf %slice3A_460, %div3A_465 : vector<8x5x80xf32>
    %add3A_467 = arith.constant 3.92699075 : f32
    %add3A_468 = vector.broadcast %add3A_467 : f32 to vector<8x1x200xf32>
    %add3A_469 = arith.addf %broadcast_in_dim3A_35, %add3A_468 : vector<8x1x200xf32>
    %jit3A_470 = arith.constant 6.28318548 : f32
    %rem3A_471 = vector.broadcast %jit3A_470 : f32 to vector<8x1x200xf32>
    %rem3A_472 = arith.remf %add3A_469, %rem3A_471 : vector<8x1x200xf32>
    %ne3A_473 = arith.constant 0.000000e+00 : f32
    %ne3A_474 = vector.broadcast %ne3A_473 : f32 to vector<8x1x200xf32>
    %ne3A_475 = arith.cmpf one, %rem3A_472, %ne3A_474 : vector<8x1x200xf32>
    %lt3A_476 = arith.constant 0.000000e+00 : f32
    %lt3A_477 = vector.broadcast %lt3A_476 : f32 to vector<8x1x200xf32>
    %lt3A_478 = arith.cmpf olt, %rem3A_472, %lt3A_477 : vector<8x1x200xf32>
    %lt3A_479 = arith.constant 0.000000e+00 : f32
    %lt3A_480 = arith.cmpf olt, %jit3A_470, %lt3A_479 : f32
    %ne3A_481 = vector.broadcast %lt3A_480 : i1 to vector<8x1x200xi1>
    %ne3A_482 = vector.broadcast %ne3A_481 : vector<8x1x200xi1> to vector<8x1x200xi1>
    %ne3A_483 = arith.xori %lt3A_478, %ne3A_482 : vector<8x1x200xi1>
    %and3A_484 = arith.andi %ne3A_483, %ne3A_475 : vector<8x1x200xi1>
    %add3A_485 = vector.broadcast %jit3A_470 : f32 to vector<8x1x200xf32>
    %add3A_486 = arith.addf %rem3A_472, %add3A_485 : vector<8x1x200xf32>
    %select_n3A_487 = arith.select %and3A_484, %add3A_486, %rem3A_472 : vector<8x1x200xi1>, vector<8x1x200xf32>
    %mul3A_488 = vector.broadcast %get3A_15 : f32 to vector<8x1x200xf32>
    %mul3A_489 = arith.mulf %select_n3A_487, %mul3A_488 : vector<8x1x200xf32>
    %sub3A_490 = vector.broadcast %mul3A_489 : vector<8x1x200xf32> to vector<8x16x200xf32>
    %sub3A_491 = vector.broadcast %get3A_23 : vector<1x16x1xf32> to vector<8x16x200xf32>
    %sub3A_492 = arith.subf %sub3A_490, %sub3A_491 : vector<8x16x200xf32>
    %mul3A_493 = arith.mulf %sub3A_492, %sub3A_492 : vector<8x16x200xf32>
    %neg3A_494 = arith.constant 0.000000e+00 : f32
    %neg3A_495 = vector.broadcast %neg3A_494 : f32 to vector<8x16x200xf32>
    %neg3A_496 = arith.subf %neg3A_495, %mul3A_493 : vector<8x16x200xf32>
    %exp3A_497 = math.exp %neg3A_496 : vector<8x16x200xf32>
    %broadcast_in_dim3A_498 = vector.shape_cast %exp3A_497 : vector<8x16x200xf32> to vector<8x1x16x200xf32>
    %mul3A_499 = vector.broadcast %broadcast_in_dim3A_498 : vector<8x1x16x200xf32> to vector<8x5x16x200xf32>
    %mul3A_500 = arith.mulf %reshape3A, %mul3A_499 : vector<8x5x16x200xf32>
    %reshape3A_501 = vector.shape_cast %mul3A_500 : vector<8x5x16x200xf32> to vector<8x80x200xf32>
    %dot_general3A_502 = arith.constant dense<0.000000e+00> : vector<8x6x80xf32>
    %dot_general3A_503 = tpu.matmul %concatenate3A, %reshape3A_501, %dot_general3A_502 {dimension_numbers = #tpu.dot_dimension_numbers<[2], [2], [1], [1], [0, 0, 0, 1, 1, 1], [0], [0]>, transpose_lhs_hint = false} : vector<8x6x200xf32>, vector<8x80x200xf32>, vector<8x6x80xf32> -> vector<8x6x80xf32>
    %slice3A_504 = vector.extract_strided_slice %dot_general3A_503 {offsets = [0, 0, 0], sizes = [8, 5, 80], strides = [1, 1, 1]} : vector<8x6x80xf32> to vector<8x5x80xf32>
    %slice3A_505 = vector.extract_strided_slice %dot_general3A_503 {offsets = [0, 5, 0], sizes = [8, 1, 80], strides = [1, 1, 1]} : vector<8x6x80xf32> to vector<8x1x80xf32>
    %add3A_506 = arith.constant 9.99999974E-6 : f32
    %add3A_507 = vector.broadcast %add3A_506 : f32 to vector<8x1x80xf32>
    %add3A_508 = arith.addf %slice3A_505, %add3A_507 : vector<8x1x80xf32>
    %div3A_509 = vector.broadcast %add3A_508 : vector<8x1x80xf32> to vector<8x5x80xf32>
    %div3A_510 = arith.divf %slice3A_504, %div3A_509 : vector<8x5x80xf32>
    %add3A_511 = arith.constant 4.31968975 : f32
    %add3A_512 = vector.broadcast %add3A_511 : f32 to vector<8x1x200xf32>
    %add3A_513 = arith.addf %broadcast_in_dim3A_35, %add3A_512 : vector<8x1x200xf32>
    %jit3A_514 = arith.constant 6.28318548 : f32
    %rem3A_515 = vector.broadcast %jit3A_514 : f32 to vector<8x1x200xf32>
    %rem3A_516 = arith.remf %add3A_513, %rem3A_515 : vector<8x1x200xf32>
    %ne3A_517 = arith.constant 0.000000e+00 : f32
    %ne3A_518 = vector.broadcast %ne3A_517 : f32 to vector<8x1x200xf32>
    %ne3A_519 = arith.cmpf one, %rem3A_516, %ne3A_518 : vector<8x1x200xf32>
    %lt3A_520 = arith.constant 0.000000e+00 : f32
    %lt3A_521 = vector.broadcast %lt3A_520 : f32 to vector<8x1x200xf32>
    %lt3A_522 = arith.cmpf olt, %rem3A_516, %lt3A_521 : vector<8x1x200xf32>
    %lt3A_523 = arith.constant 0.000000e+00 : f32
    %lt3A_524 = arith.cmpf olt, %jit3A_514, %lt3A_523 : f32
    %ne3A_525 = vector.broadcast %lt3A_524 : i1 to vector<8x1x200xi1>
    %ne3A_526 = vector.broadcast %ne3A_525 : vector<8x1x200xi1> to vector<8x1x200xi1>
    %ne3A_527 = arith.xori %lt3A_522, %ne3A_526 : vector<8x1x200xi1>
    %and3A_528 = arith.andi %ne3A_527, %ne3A_519 : vector<8x1x200xi1>
    %add3A_529 = vector.broadcast %jit3A_514 : f32 to vector<8x1x200xf32>
    %add3A_530 = arith.addf %rem3A_516, %add3A_529 : vector<8x1x200xf32>
    %select_n3A_531 = arith.select %and3A_528, %add3A_530, %rem3A_516 : vector<8x1x200xi1>, vector<8x1x200xf32>
    %mul3A_532 = vector.broadcast %get3A_15 : f32 to vector<8x1x200xf32>
    %mul3A_533 = arith.mulf %select_n3A_531, %mul3A_532 : vector<8x1x200xf32>
    %sub3A_534 = vector.broadcast %mul3A_533 : vector<8x1x200xf32> to vector<8x16x200xf32>
    %sub3A_535 = vector.broadcast %get3A_23 : vector<1x16x1xf32> to vector<8x16x200xf32>
    %sub3A_536 = arith.subf %sub3A_534, %sub3A_535 : vector<8x16x200xf32>
    %mul3A_537 = arith.mulf %sub3A_536, %sub3A_536 : vector<8x16x200xf32>
    %neg3A_538 = arith.constant 0.000000e+00 : f32
    %neg3A_539 = vector.broadcast %neg3A_538 : f32 to vector<8x16x200xf32>
    %neg3A_540 = arith.subf %neg3A_539, %mul3A_537 : vector<8x16x200xf32>
    %exp3A_541 = math.exp %neg3A_540 : vector<8x16x200xf32>
    %broadcast_in_dim3A_542 = vector.shape_cast %exp3A_541 : vector<8x16x200xf32> to vector<8x1x16x200xf32>
    %mul3A_543 = vector.broadcast %broadcast_in_dim3A_542 : vector<8x1x16x200xf32> to vector<8x5x16x200xf32>
    %mul3A_544 = arith.mulf %reshape3A, %mul3A_543 : vector<8x5x16x200xf32>
    %reshape3A_545 = vector.shape_cast %mul3A_544 : vector<8x5x16x200xf32> to vector<8x80x200xf32>
    %dot_general3A_546 = arith.constant dense<0.000000e+00> : vector<8x6x80xf32>
    %dot_general3A_547 = tpu.matmul %concatenate3A, %reshape3A_545, %dot_general3A_546 {dimension_numbers = #tpu.dot_dimension_numbers<[2], [2], [1], [1], [0, 0, 0, 1, 1, 1], [0], [0]>, transpose_lhs_hint = false} : vector<8x6x200xf32>, vector<8x80x200xf32>, vector<8x6x80xf32> -> vector<8x6x80xf32>
    %slice3A_548 = vector.extract_strided_slice %dot_general3A_547 {offsets = [0, 0, 0], sizes = [8, 5, 80], strides = [1, 1, 1]} : vector<8x6x80xf32> to vector<8x5x80xf32>
    %slice3A_549 = vector.extract_strided_slice %dot_general3A_547 {offsets = [0, 5, 0], sizes = [8, 1, 80], strides = [1, 1, 1]} : vector<8x6x80xf32> to vector<8x1x80xf32>
    %add3A_550 = arith.constant 9.99999974E-6 : f32
    %add3A_551 = vector.broadcast %add3A_550 : f32 to vector<8x1x80xf32>
    %add3A_552 = arith.addf %slice3A_549, %add3A_551 : vector<8x1x80xf32>
    %div3A_553 = vector.broadcast %add3A_552 : vector<8x1x80xf32> to vector<8x5x80xf32>
    %div3A_554 = arith.divf %slice3A_548, %div3A_553 : vector<8x5x80xf32>
    %add3A_555 = arith.constant 4.71238899 : f32
    %add3A_556 = vector.broadcast %add3A_555 : f32 to vector<8x1x200xf32>
    %add3A_557 = arith.addf %broadcast_in_dim3A_35, %add3A_556 : vector<8x1x200xf32>
    %jit3A_558 = arith.constant 6.28318548 : f32
    %rem3A_559 = vector.broadcast %jit3A_558 : f32 to vector<8x1x200xf32>
    %rem3A_560 = arith.remf %add3A_557, %rem3A_559 : vector<8x1x200xf32>
    %ne3A_561 = arith.constant 0.000000e+00 : f32
    %ne3A_562 = vector.broadcast %ne3A_561 : f32 to vector<8x1x200xf32>
    %ne3A_563 = arith.cmpf one, %rem3A_560, %ne3A_562 : vector<8x1x200xf32>
    %lt3A_564 = arith.constant 0.000000e+00 : f32
    %lt3A_565 = vector.broadcast %lt3A_564 : f32 to vector<8x1x200xf32>
    %lt3A_566 = arith.cmpf olt, %rem3A_560, %lt3A_565 : vector<8x1x200xf32>
    %lt3A_567 = arith.constant 0.000000e+00 : f32
    %lt3A_568 = arith.cmpf olt, %jit3A_558, %lt3A_567 : f32
    %ne3A_569 = vector.broadcast %lt3A_568 : i1 to vector<8x1x200xi1>
    %ne3A_570 = vector.broadcast %ne3A_569 : vector<8x1x200xi1> to vector<8x1x200xi1>
    %ne3A_571 = arith.xori %lt3A_566, %ne3A_570 : vector<8x1x200xi1>
    %and3A_572 = arith.andi %ne3A_571, %ne3A_563 : vector<8x1x200xi1>
    %add3A_573 = vector.broadcast %jit3A_558 : f32 to vector<8x1x200xf32>
    %add3A_574 = arith.addf %rem3A_560, %add3A_573 : vector<8x1x200xf32>
    %select_n3A_575 = arith.select %and3A_572, %add3A_574, %rem3A_560 : vector<8x1x200xi1>, vector<8x1x200xf32>
    %mul3A_576 = vector.broadcast %get3A_15 : f32 to vector<8x1x200xf32>
    %mul3A_577 = arith.mulf %select_n3A_575, %mul3A_576 : vector<8x1x200xf32>
    %sub3A_578 = vector.broadcast %mul3A_577 : vector<8x1x200xf32> to vector<8x16x200xf32>
    %sub3A_579 = vector.broadcast %get3A_23 : vector<1x16x1xf32> to vector<8x16x200xf32>
    %sub3A_580 = arith.subf %sub3A_578, %sub3A_579 : vector<8x16x200xf32>
    %mul3A_581 = arith.mulf %sub3A_580, %sub3A_580 : vector<8x16x200xf32>
    %neg3A_582 = arith.constant 0.000000e+00 : f32
    %neg3A_583 = vector.broadcast %neg3A_582 : f32 to vector<8x16x200xf32>
    %neg3A_584 = arith.subf %neg3A_583, %mul3A_581 : vector<8x16x200xf32>
    %exp3A_585 = math.exp %neg3A_584 : vector<8x16x200xf32>
    %broadcast_in_dim3A_586 = vector.shape_cast %exp3A_585 : vector<8x16x200xf32> to vector<8x1x16x200xf32>
    %mul3A_587 = vector.broadcast %broadcast_in_dim3A_586 : vector<8x1x16x200xf32> to vector<8x5x16x200xf32>
    %mul3A_588 = arith.mulf %reshape3A, %mul3A_587 : vector<8x5x16x200xf32>
    %reshape3A_589 = vector.shape_cast %mul3A_588 : vector<8x5x16x200xf32> to vector<8x80x200xf32>
    %dot_general3A_590 = arith.constant dense<0.000000e+00> : vector<8x6x80xf32>
    %dot_general3A_591 = tpu.matmul %concatenate3A, %reshape3A_589, %dot_general3A_590 {dimension_numbers = #tpu.dot_dimension_numbers<[2], [2], [1], [1], [0, 0, 0, 1, 1, 1], [0], [0]>, transpose_lhs_hint = false} : vector<8x6x200xf32>, vector<8x80x200xf32>, vector<8x6x80xf32> -> vector<8x6x80xf32>
    %slice3A_592 = vector.extract_strided_slice %dot_general3A_591 {offsets = [0, 0, 0], sizes = [8, 5, 80], strides = [1, 1, 1]} : vector<8x6x80xf32> to vector<8x5x80xf32>
    %slice3A_593 = vector.extract_strided_slice %dot_general3A_591 {offsets = [0, 5, 0], sizes = [8, 1, 80], strides = [1, 1, 1]} : vector<8x6x80xf32> to vector<8x1x80xf32>
    %add3A_594 = arith.constant 9.99999974E-6 : f32
    %add3A_595 = vector.broadcast %add3A_594 : f32 to vector<8x1x80xf32>
    %add3A_596 = arith.addf %slice3A_593, %add3A_595 : vector<8x1x80xf32>
    %div3A_597 = vector.broadcast %add3A_596 : vector<8x1x80xf32> to vector<8x5x80xf32>
    %div3A_598 = arith.divf %slice3A_592, %div3A_597 : vector<8x5x80xf32>
    %add3A_599 = arith.constant 5.10508823 : f32
    %add3A_600 = vector.broadcast %add3A_599 : f32 to vector<8x1x200xf32>
    %add3A_601 = arith.addf %broadcast_in_dim3A_35, %add3A_600 : vector<8x1x200xf32>
    %jit3A_602 = arith.constant 6.28318548 : f32
    %rem3A_603 = vector.broadcast %jit3A_602 : f32 to vector<8x1x200xf32>
    %rem3A_604 = arith.remf %add3A_601, %rem3A_603 : vector<8x1x200xf32>
    %ne3A_605 = arith.constant 0.000000e+00 : f32
    %ne3A_606 = vector.broadcast %ne3A_605 : f32 to vector<8x1x200xf32>
    %ne3A_607 = arith.cmpf one, %rem3A_604, %ne3A_606 : vector<8x1x200xf32>
    %lt3A_608 = arith.constant 0.000000e+00 : f32
    %lt3A_609 = vector.broadcast %lt3A_608 : f32 to vector<8x1x200xf32>
    %lt3A_610 = arith.cmpf olt, %rem3A_604, %lt3A_609 : vector<8x1x200xf32>
    %lt3A_611 = arith.constant 0.000000e+00 : f32
    %lt3A_612 = arith.cmpf olt, %jit3A_602, %lt3A_611 : f32
    %ne3A_613 = vector.broadcast %lt3A_612 : i1 to vector<8x1x200xi1>
    %ne3A_614 = vector.broadcast %ne3A_613 : vector<8x1x200xi1> to vector<8x1x200xi1>
    %ne3A_615 = arith.xori %lt3A_610, %ne3A_614 : vector<8x1x200xi1>
    %and3A_616 = arith.andi %ne3A_615, %ne3A_607 : vector<8x1x200xi1>
    %add3A_617 = vector.broadcast %jit3A_602 : f32 to vector<8x1x200xf32>
    %add3A_618 = arith.addf %rem3A_604, %add3A_617 : vector<8x1x200xf32>
    %select_n3A_619 = arith.select %and3A_616, %add3A_618, %rem3A_604 : vector<8x1x200xi1>, vector<8x1x200xf32>
    %mul3A_620 = vector.broadcast %get3A_15 : f32 to vector<8x1x200xf32>
    %mul3A_621 = arith.mulf %select_n3A_619, %mul3A_620 : vector<8x1x200xf32>
    %sub3A_622 = vector.broadcast %mul3A_621 : vector<8x1x200xf32> to vector<8x16x200xf32>
    %sub3A_623 = vector.broadcast %get3A_23 : vector<1x16x1xf32> to vector<8x16x200xf32>
    %sub3A_624 = arith.subf %sub3A_622, %sub3A_623 : vector<8x16x200xf32>
    %mul3A_625 = arith.mulf %sub3A_624, %sub3A_624 : vector<8x16x200xf32>
    %neg3A_626 = arith.constant 0.000000e+00 : f32
    %neg3A_627 = vector.broadcast %neg3A_626 : f32 to vector<8x16x200xf32>
    %neg3A_628 = arith.subf %neg3A_627, %mul3A_625 : vector<8x16x200xf32>
    %exp3A_629 = math.exp %neg3A_628 : vector<8x16x200xf32>
    %broadcast_in_dim3A_630 = vector.shape_cast %exp3A_629 : vector<8x16x200xf32> to vector<8x1x16x200xf32>
    %mul3A_631 = vector.broadcast %broadcast_in_dim3A_630 : vector<8x1x16x200xf32> to vector<8x5x16x200xf32>
    %mul3A_632 = arith.mulf %reshape3A, %mul3A_631 : vector<8x5x16x200xf32>
    %reshape3A_633 = vector.shape_cast %mul3A_632 : vector<8x5x16x200xf32> to vector<8x80x200xf32>
    %dot_general3A_634 = arith.constant dense<0.000000e+00> : vector<8x6x80xf32>
    %dot_general3A_635 = tpu.matmul %concatenate3A, %reshape3A_633, %dot_general3A_634 {dimension_numbers = #tpu.dot_dimension_numbers<[2], [2], [1], [1], [0, 0, 0, 1, 1, 1], [0], [0]>, transpose_lhs_hint = false} : vector<8x6x200xf32>, vector<8x80x200xf32>, vector<8x6x80xf32> -> vector<8x6x80xf32>
    %slice3A_636 = vector.extract_strided_slice %dot_general3A_635 {offsets = [0, 0, 0], sizes = [8, 5, 80], strides = [1, 1, 1]} : vector<8x6x80xf32> to vector<8x5x80xf32>
    %slice3A_637 = vector.extract_strided_slice %dot_general3A_635 {offsets = [0, 5, 0], sizes = [8, 1, 80], strides = [1, 1, 1]} : vector<8x6x80xf32> to vector<8x1x80xf32>
    %add3A_638 = arith.constant 9.99999974E-6 : f32
    %add3A_639 = vector.broadcast %add3A_638 : f32 to vector<8x1x80xf32>
    %add3A_640 = arith.addf %slice3A_637, %add3A_639 : vector<8x1x80xf32>
    %div3A_641 = vector.broadcast %add3A_640 : vector<8x1x80xf32> to vector<8x5x80xf32>
    %div3A_642 = arith.divf %slice3A_636, %div3A_641 : vector<8x5x80xf32>
    %add3A_643 = arith.constant 5.497787 : f32
    %add3A_644 = vector.broadcast %add3A_643 : f32 to vector<8x1x200xf32>
    %add3A_645 = arith.addf %broadcast_in_dim3A_35, %add3A_644 : vector<8x1x200xf32>
    %jit3A_646 = arith.constant 6.28318548 : f32
    %rem3A_647 = vector.broadcast %jit3A_646 : f32 to vector<8x1x200xf32>
    %rem3A_648 = arith.remf %add3A_645, %rem3A_647 : vector<8x1x200xf32>
    %ne3A_649 = arith.constant 0.000000e+00 : f32
    %ne3A_650 = vector.broadcast %ne3A_649 : f32 to vector<8x1x200xf32>
    %ne3A_651 = arith.cmpf one, %rem3A_648, %ne3A_650 : vector<8x1x200xf32>
    %lt3A_652 = arith.constant 0.000000e+00 : f32
    %lt3A_653 = vector.broadcast %lt3A_652 : f32 to vector<8x1x200xf32>
    %lt3A_654 = arith.cmpf olt, %rem3A_648, %lt3A_653 : vector<8x1x200xf32>
    %lt3A_655 = arith.constant 0.000000e+00 : f32
    %lt3A_656 = arith.cmpf olt, %jit3A_646, %lt3A_655 : f32
    %ne3A_657 = vector.broadcast %lt3A_656 : i1 to vector<8x1x200xi1>
    %ne3A_658 = vector.broadcast %ne3A_657 : vector<8x1x200xi1> to vector<8x1x200xi1>
    %ne3A_659 = arith.xori %lt3A_654, %ne3A_658 : vector<8x1x200xi1>
    %and3A_660 = arith.andi %ne3A_659, %ne3A_651 : vector<8x1x200xi1>
    %add3A_661 = vector.broadcast %jit3A_646 : f32 to vector<8x1x200xf32>
    %add3A_662 = arith.addf %rem3A_648, %add3A_661 : vector<8x1x200xf32>
    %select_n3A_663 = arith.select %and3A_660, %add3A_662, %rem3A_648 : vector<8x1x200xi1>, vector<8x1x200xf32>
    %mul3A_664 = vector.broadcast %get3A_15 : f32 to vector<8x1x200xf32>
    %mul3A_665 = arith.mulf %select_n3A_663, %mul3A_664 : vector<8x1x200xf32>
    %sub3A_666 = vector.broadcast %mul3A_665 : vector<8x1x200xf32> to vector<8x16x200xf32>
    %sub3A_667 = vector.broadcast %get3A_23 : vector<1x16x1xf32> to vector<8x16x200xf32>
    %sub3A_668 = arith.subf %sub3A_666, %sub3A_667 : vector<8x16x200xf32>
    %mul3A_669 = arith.mulf %sub3A_668, %sub3A_668 : vector<8x16x200xf32>
    %neg3A_670 = arith.constant 0.000000e+00 : f32
    %neg3A_671 = vector.broadcast %neg3A_670 : f32 to vector<8x16x200xf32>
    %neg3A_672 = arith.subf %neg3A_671, %mul3A_669 : vector<8x16x200xf32>
    %exp3A_673 = math.exp %neg3A_672 : vector<8x16x200xf32>
    %broadcast_in_dim3A_674 = vector.shape_cast %exp3A_673 : vector<8x16x200xf32> to vector<8x1x16x200xf32>
    %mul3A_675 = vector.broadcast %broadcast_in_dim3A_674 : vector<8x1x16x200xf32> to vector<8x5x16x200xf32>
    %mul3A_676 = arith.mulf %reshape3A, %mul3A_675 : vector<8x5x16x200xf32>
    %reshape3A_677 = vector.shape_cast %mul3A_676 : vector<8x5x16x200xf32> to vector<8x80x200xf32>
    %dot_general3A_678 = arith.constant dense<0.000000e+00> : vector<8x6x80xf32>
    %dot_general3A_679 = tpu.matmul %concatenate3A, %reshape3A_677, %dot_general3A_678 {dimension_numbers = #tpu.dot_dimension_numbers<[2], [2], [1], [1], [0, 0, 0, 1, 1, 1], [0], [0]>, transpose_lhs_hint = false} : vector<8x6x200xf32>, vector<8x80x200xf32>, vector<8x6x80xf32> -> vector<8x6x80xf32>
    %slice3A_680 = vector.extract_strided_slice %dot_general3A_679 {offsets = [0, 0, 0], sizes = [8, 5, 80], strides = [1, 1, 1]} : vector<8x6x80xf32> to vector<8x5x80xf32>
    %slice3A_681 = vector.extract_strided_slice %dot_general3A_679 {offsets = [0, 5, 0], sizes = [8, 1, 80], strides = [1, 1, 1]} : vector<8x6x80xf32> to vector<8x1x80xf32>
    %add3A_682 = arith.constant 9.99999974E-6 : f32
    %add3A_683 = vector.broadcast %add3A_682 : f32 to vector<8x1x80xf32>
    %add3A_684 = arith.addf %slice3A_681, %add3A_683 : vector<8x1x80xf32>
    %div3A_685 = vector.broadcast %add3A_684 : vector<8x1x80xf32> to vector<8x5x80xf32>
    %div3A_686 = arith.divf %slice3A_680, %div3A_685 : vector<8x5x80xf32>
    %add3A_687 = arith.constant 5.89048624 : f32
    %add3A_688 = vector.broadcast %add3A_687 : f32 to vector<8x1x200xf32>
    %add3A_689 = arith.addf %broadcast_in_dim3A_35, %add3A_688 : vector<8x1x200xf32>
    %jit3A_690 = arith.constant 6.28318548 : f32
    %rem3A_691 = vector.broadcast %jit3A_690 : f32 to vector<8x1x200xf32>
    %rem3A_692 = arith.remf %add3A_689, %rem3A_691 : vector<8x1x200xf32>
    %ne3A_693 = arith.constant 0.000000e+00 : f32
    %ne3A_694 = vector.broadcast %ne3A_693 : f32 to vector<8x1x200xf32>
    %ne3A_695 = arith.cmpf one, %rem3A_692, %ne3A_694 : vector<8x1x200xf32>
    %lt3A_696 = arith.constant 0.000000e+00 : f32
    %lt3A_697 = vector.broadcast %lt3A_696 : f32 to vector<8x1x200xf32>
    %lt3A_698 = arith.cmpf olt, %rem3A_692, %lt3A_697 : vector<8x1x200xf32>
    %lt3A_699 = arith.constant 0.000000e+00 : f32
    %lt3A_700 = arith.cmpf olt, %jit3A_690, %lt3A_699 : f32
    %ne3A_701 = vector.broadcast %lt3A_700 : i1 to vector<8x1x200xi1>
    %ne3A_702 = vector.broadcast %ne3A_701 : vector<8x1x200xi1> to vector<8x1x200xi1>
    %ne3A_703 = arith.xori %lt3A_698, %ne3A_702 : vector<8x1x200xi1>
    %and3A_704 = arith.andi %ne3A_703, %ne3A_695 : vector<8x1x200xi1>
    %add3A_705 = vector.broadcast %jit3A_690 : f32 to vector<8x1x200xf32>
    %add3A_706 = arith.addf %rem3A_692, %add3A_705 : vector<8x1x200xf32>
    %select_n3A_707 = arith.select %and3A_704, %add3A_706, %rem3A_692 : vector<8x1x200xi1>, vector<8x1x200xf32>
    %mul3A_708 = vector.broadcast %get3A_15 : f32 to vector<8x1x200xf32>
    %mul3A_709 = arith.mulf %select_n3A_707, %mul3A_708 : vector<8x1x200xf32>
    %sub3A_710 = vector.broadcast %mul3A_709 : vector<8x1x200xf32> to vector<8x16x200xf32>
    %sub3A_711 = vector.broadcast %get3A_23 : vector<1x16x1xf32> to vector<8x16x200xf32>
    %sub3A_712 = arith.subf %sub3A_710, %sub3A_711 : vector<8x16x200xf32>
    %mul3A_713 = arith.mulf %sub3A_712, %sub3A_712 : vector<8x16x200xf32>
    %neg3A_714 = arith.constant 0.000000e+00 : f32
    %neg3A_715 = vector.broadcast %neg3A_714 : f32 to vector<8x16x200xf32>
    %neg3A_716 = arith.subf %neg3A_715, %mul3A_713 : vector<8x16x200xf32>
    %exp3A_717 = math.exp %neg3A_716 : vector<8x16x200xf32>
    %broadcast_in_dim3A_718 = vector.shape_cast %exp3A_717 : vector<8x16x200xf32> to vector<8x1x16x200xf32>
    %mul3A_719 = vector.broadcast %broadcast_in_dim3A_718 : vector<8x1x16x200xf32> to vector<8x5x16x200xf32>
    %mul3A_720 = arith.mulf %reshape3A, %mul3A_719 : vector<8x5x16x200xf32>
    %reshape3A_721 = vector.shape_cast %mul3A_720 : vector<8x5x16x200xf32> to vector<8x80x200xf32>
    %dot_general3A_722 = arith.constant dense<0.000000e+00> : vector<8x6x80xf32>
    %dot_general3A_723 = tpu.matmul %concatenate3A, %reshape3A_721, %dot_general3A_722 {dimension_numbers = #tpu.dot_dimension_numbers<[2], [2], [1], [1], [0, 0, 0, 1, 1, 1], [0], [0]>, transpose_lhs_hint = false} : vector<8x6x200xf32>, vector<8x80x200xf32>, vector<8x6x80xf32> -> vector<8x6x80xf32>
    %slice3A_724 = vector.extract_strided_slice %dot_general3A_723 {offsets = [0, 0, 0], sizes = [8, 5, 80], strides = [1, 1, 1]} : vector<8x6x80xf32> to vector<8x5x80xf32>
    %slice3A_725 = vector.extract_strided_slice %dot_general3A_723 {offsets = [0, 5, 0], sizes = [8, 1, 80], strides = [1, 1, 1]} : vector<8x6x80xf32> to vector<8x1x80xf32>
    %add3A_726 = arith.constant 9.99999974E-6 : f32
    %add3A_727 = vector.broadcast %add3A_726 : f32 to vector<8x1x80xf32>
    %add3A_728 = arith.addf %slice3A_725, %add3A_727 : vector<8x1x80xf32>
    %div3A_729 = vector.broadcast %add3A_728 : vector<8x1x80xf32> to vector<8x5x80xf32>
    %div3A_730 = arith.divf %slice3A_724, %div3A_729 : vector<8x5x80xf32>
    %stack3A = vector.shape_cast %div3A_70 : vector<8x5x80xf32> to vector<8x5x1x80xf32>
    %stack3A_731 = vector.shape_cast %div3A_114 : vector<8x5x80xf32> to vector<8x5x1x80xf32>
    %stack3A_732 = vector.shape_cast %div3A_158 : vector<8x5x80xf32> to vector<8x5x1x80xf32>
    %stack3A_733 = vector.shape_cast %div3A_202 : vector<8x5x80xf32> to vector<8x5x1x80xf32>
    %stack3A_734 = vector.shape_cast %div3A_246 : vector<8x5x80xf32> to vector<8x5x1x80xf32>
    %stack3A_735 = vector.shape_cast %div3A_290 : vector<8x5x80xf32> to vector<8x5x1x80xf32>
    %stack3A_736 = vector.shape_cast %div3A_334 : vector<8x5x80xf32> to vector<8x5x1x80xf32>
    %stack3A_737 = vector.shape_cast %div3A_378 : vector<8x5x80xf32> to vector<8x5x1x80xf32>
    %stack3A_738 = vector.shape_cast %div3A_422 : vector<8x5x80xf32> to vector<8x5x1x80xf32>
    %stack3A_739 = vector.shape_cast %div3A_466 : vector<8x5x80xf32> to vector<8x5x1x80xf32>
    %stack3A_740 = vector.shape_cast %div3A_510 : vector<8x5x80xf32> to vector<8x5x1x80xf32>
    %stack3A_741 = vector.shape_cast %div3A_554 : vector<8x5x80xf32> to vector<8x5x1x80xf32>
    %stack3A_742 = vector.shape_cast %div3A_598 : vector<8x5x80xf32> to vector<8x5x1x80xf32>
    %stack3A_743 = vector.shape_cast %div3A_642 : vector<8x5x80xf32> to vector<8x5x1x80xf32>
    %stack3A_744 = vector.shape_cast %div3A_686 : vector<8x5x80xf32> to vector<8x5x1x80xf32>
    %stack3A_745 = vector.shape_cast %div3A_730 : vector<8x5x80xf32> to vector<8x5x1x80xf32>
    %stack3A_746 = tpu.concatenate %stack3A, %stack3A_731, %stack3A_732, %stack3A_733, %stack3A_734, %stack3A_735, %stack3A_736, %stack3A_737, %stack3A_738, %stack3A_739, %stack3A_740, %stack3A_741, %stack3A_742, %stack3A_743, %stack3A_744, %stack3A_745 in 2 : vector<8x5x1x80xf32>, vector<8x5x1x80xf32>, vector<8x5x1x80xf32>, vector<8x5x1x80xf32>, vector<8x5x1x80xf32>, vector<8x5x1x80xf32>, vector<8x5x1x80xf32>, vector<8x5x1x80xf32>, vector<8x5x1x80xf32>, vector<8x5x1x80xf32>, vector<8x5x1x80xf32>, vector<8x5x1x80xf32>, vector<8x5x1x80xf32>, vector<8x5x1x80xf32>, vector<8x5x1x80xf32>, vector<8x5x1x80xf32> -> vector<8x5x16x80xf32>
    %slice3A_747 = vector.extract_strided_slice %stack3A_746 {offsets = [0, 0, 0, 0], sizes = [8, 1, 16, 80], strides = [1, 1, 1, 1]} : vector<8x5x16x80xf32> to vector<8x1x16x80xf32>
    %squeeze3A_748 = vector.shape_cast %slice3A_747 : vector<8x1x16x80xf32> to vector<8x16x80xf32>
    %reshape3A_749 = vector.shape_cast %squeeze3A_748 : vector<8x16x80xf32> to vector<128x80xf32>
    %get3A_750 = arith.constant 0 : index
    %get3A_751 = arith.constant 0 : index
    %get3A_752 = arith.constant 0 : index
    %get3A_753 = vector.load %arg5[%get3A_750, %get3A_751, %get3A_752] : memref<5x80x80xf32, #tpu.memory_space<vmem>>, vector<1x80x80xf32>
    %get3A_754 = vector.shape_cast %get3A_753 : vector<1x80x80xf32> to vector<80x80xf32>
    %dot_general3A_755 = arith.constant dense<0.000000e+00> : vector<128x80xf32>
    %dot_general3A_756 = tpu.matmul %reshape3A_749, %get3A_754, %dot_general3A_755 {dimension_numbers = #tpu.dot_dimension_numbers<[1], [0], [0], [1], [0, 0, 1, 1], [], []>, transpose_lhs_hint = false} : vector<128x80xf32>, vector<80x80xf32>, vector<128x80xf32> -> vector<128x80xf32>
    %get3A_757 = arith.constant 0 : index
    %get3A_758 = arith.constant 0 : index
    %get3A_759 = vector.load %arg6[%get3A_757, %get3A_758] : memref<5x80xf32, #tpu.memory_space<vmem>>, vector<1x80xf32>
    %get3A_760 = vector.shape_cast %get3A_759 : vector<1x80xf32> to vector<80xf32>
    %broadcast_in_dim3A_761 = vector.shape_cast %get3A_760 : vector<80xf32> to vector<1x80xf32>
    %add3A_762 = vector.broadcast %broadcast_in_dim3A_761 : vector<1x80xf32> to vector<128x80xf32>
    %add3A_763 = arith.addf %dot_general3A_756, %add3A_762 : vector<128x80xf32>
    %reshape3A_764 = vector.shape_cast %add3A_763 : vector<128x80xf32> to vector<8x16x80xf32>
    %reduce_max3A = arith.constant dense<0xFF800000> : vector<8x80xf32>
    %reduce_max3A_765 = vector.multi_reduction <maximumf>, %reshape3A_764, %reduce_max3A [1] : vector<8x16x80xf32> to vector<8x80xf32>
    %slice3A_766 = vector.extract_strided_slice %stack3A_746 {offsets = [0, 1, 0, 0], sizes = [8, 1, 16, 80], strides = [1, 1, 1, 1]} : vector<8x5x16x80xf32> to vector<8x1x16x80xf32>
    %squeeze3A_767 = vector.shape_cast %slice3A_766 : vector<8x1x16x80xf32> to vector<8x16x80xf32>
    %reshape3A_768 = vector.shape_cast %squeeze3A_767 : vector<8x16x80xf32> to vector<128x80xf32>
    %get3A_769 = arith.constant 1 : index
    %get3A_770 = arith.constant 0 : index
    %get3A_771 = arith.constant 0 : index
    %get3A_772 = vector.load %arg5[%get3A_769, %get3A_770, %get3A_771] : memref<5x80x80xf32, #tpu.memory_space<vmem>>, vector<1x80x80xf32>
    %get3A_773 = vector.shape_cast %get3A_772 : vector<1x80x80xf32> to vector<80x80xf32>
    %dot_general3A_774 = arith.constant dense<0.000000e+00> : vector<128x80xf32>
    %dot_general3A_775 = tpu.matmul %reshape3A_768, %get3A_773, %dot_general3A_774 {dimension_numbers = #tpu.dot_dimension_numbers<[1], [0], [0], [1], [0, 0, 1, 1], [], []>, transpose_lhs_hint = false} : vector<128x80xf32>, vector<80x80xf32>, vector<128x80xf32> -> vector<128x80xf32>
    %get3A_776 = arith.constant 1 : index
    %get3A_777 = arith.constant 0 : index
    %get3A_778 = vector.load %arg6[%get3A_776, %get3A_777] : memref<5x80xf32, #tpu.memory_space<vmem>>, vector<1x80xf32>
    %get3A_779 = vector.shape_cast %get3A_778 : vector<1x80xf32> to vector<80xf32>
    %broadcast_in_dim3A_780 = vector.shape_cast %get3A_779 : vector<80xf32> to vector<1x80xf32>
    %add3A_781 = vector.broadcast %broadcast_in_dim3A_780 : vector<1x80xf32> to vector<128x80xf32>
    %add3A_782 = arith.addf %dot_general3A_775, %add3A_781 : vector<128x80xf32>
    %reshape3A_783 = vector.shape_cast %add3A_782 : vector<128x80xf32> to vector<8x16x80xf32>
    %reduce_max3A_784 = arith.constant dense<0xFF800000> : vector<8x80xf32>
    %reduce_max3A_785 = vector.multi_reduction <maximumf>, %reshape3A_783, %reduce_max3A_784 [1] : vector<8x16x80xf32> to vector<8x80xf32>
    %slice3A_786 = vector.extract_strided_slice %stack3A_746 {offsets = [0, 2, 0, 0], sizes = [8, 1, 16, 80], strides = [1, 1, 1, 1]} : vector<8x5x16x80xf32> to vector<8x1x16x80xf32>
    %squeeze3A_787 = vector.shape_cast %slice3A_786 : vector<8x1x16x80xf32> to vector<8x16x80xf32>
    %reshape3A_788 = vector.shape_cast %squeeze3A_787 : vector<8x16x80xf32> to vector<128x80xf32>
    %get3A_789 = arith.constant 2 : index
    %get3A_790 = arith.constant 0 : index
    %get3A_791 = arith.constant 0 : index
    %get3A_792 = vector.load %arg5[%get3A_789, %get3A_790, %get3A_791] : memref<5x80x80xf32, #tpu.memory_space<vmem>>, vector<1x80x80xf32>
    %get3A_793 = vector.shape_cast %get3A_792 : vector<1x80x80xf32> to vector<80x80xf32>
    %dot_general3A_794 = arith.constant dense<0.000000e+00> : vector<128x80xf32>
    %dot_general3A_795 = tpu.matmul %reshape3A_788, %get3A_793, %dot_general3A_794 {dimension_numbers = #tpu.dot_dimension_numbers<[1], [0], [0], [1], [0, 0, 1, 1], [], []>, transpose_lhs_hint = false} : vector<128x80xf32>, vector<80x80xf32>, vector<128x80xf32> -> vector<128x80xf32>
    %get3A_796 = arith.constant 2 : index
    %get3A_797 = arith.constant 0 : index
    %get3A_798 = vector.load %arg6[%get3A_796, %get3A_797] : memref<5x80xf32, #tpu.memory_space<vmem>>, vector<1x80xf32>
    %get3A_799 = vector.shape_cast %get3A_798 : vector<1x80xf32> to vector<80xf32>
    %broadcast_in_dim3A_800 = vector.shape_cast %get3A_799 : vector<80xf32> to vector<1x80xf32>
    %add3A_801 = vector.broadcast %broadcast_in_dim3A_800 : vector<1x80xf32> to vector<128x80xf32>
    %add3A_802 = arith.addf %dot_general3A_795, %add3A_801 : vector<128x80xf32>
    %reshape3A_803 = vector.shape_cast %add3A_802 : vector<128x80xf32> to vector<8x16x80xf32>
    %reduce_max3A_804 = arith.constant dense<0xFF800000> : vector<8x80xf32>
    %reduce_max3A_805 = vector.multi_reduction <maximumf>, %reshape3A_803, %reduce_max3A_804 [1] : vector<8x16x80xf32> to vector<8x80xf32>
    %slice3A_806 = vector.extract_strided_slice %stack3A_746 {offsets = [0, 3, 0, 0], sizes = [8, 1, 16, 80], strides = [1, 1, 1, 1]} : vector<8x5x16x80xf32> to vector<8x1x16x80xf32>
    %squeeze3A_807 = vector.shape_cast %slice3A_806 : vector<8x1x16x80xf32> to vector<8x16x80xf32>
    %reshape3A_808 = vector.shape_cast %squeeze3A_807 : vector<8x16x80xf32> to vector<128x80xf32>
    %get3A_809 = arith.constant 3 : index
    %get3A_810 = arith.constant 0 : index
    %get3A_811 = arith.constant 0 : index
    %get3A_812 = vector.load %arg5[%get3A_809, %get3A_810, %get3A_811] : memref<5x80x80xf32, #tpu.memory_space<vmem>>, vector<1x80x80xf32>
    %get3A_813 = vector.shape_cast %get3A_812 : vector<1x80x80xf32> to vector<80x80xf32>
    %dot_general3A_814 = arith.constant dense<0.000000e+00> : vector<128x80xf32>
    %dot_general3A_815 = tpu.matmul %reshape3A_808, %get3A_813, %dot_general3A_814 {dimension_numbers = #tpu.dot_dimension_numbers<[1], [0], [0], [1], [0, 0, 1, 1], [], []>, transpose_lhs_hint = false} : vector<128x80xf32>, vector<80x80xf32>, vector<128x80xf32> -> vector<128x80xf32>
    %get3A_816 = arith.constant 3 : index
    %get3A_817 = arith.constant 0 : index
    %get3A_818 = vector.load %arg6[%get3A_816, %get3A_817] : memref<5x80xf32, #tpu.memory_space<vmem>>, vector<1x80xf32>
    %get3A_819 = vector.shape_cast %get3A_818 : vector<1x80xf32> to vector<80xf32>
    %broadcast_in_dim3A_820 = vector.shape_cast %get3A_819 : vector<80xf32> to vector<1x80xf32>
    %add3A_821 = vector.broadcast %broadcast_in_dim3A_820 : vector<1x80xf32> to vector<128x80xf32>
    %add3A_822 = arith.addf %dot_general3A_815, %add3A_821 : vector<128x80xf32>
    %reshape3A_823 = vector.shape_cast %add3A_822 : vector<128x80xf32> to vector<8x16x80xf32>
    %reduce_max3A_824 = arith.constant dense<0xFF800000> : vector<8x80xf32>
    %reduce_max3A_825 = vector.multi_reduction <maximumf>, %reshape3A_823, %reduce_max3A_824 [1] : vector<8x16x80xf32> to vector<8x80xf32>
    %slice3A_826 = vector.extract_strided_slice %stack3A_746 {offsets = [0, 4, 0, 0], sizes = [8, 1, 16, 80], strides = [1, 1, 1, 1]} : vector<8x5x16x80xf32> to vector<8x1x16x80xf32>
    %squeeze3A_827 = vector.shape_cast %slice3A_826 : vector<8x1x16x80xf32> to vector<8x16x80xf32>
    %reshape3A_828 = vector.shape_cast %squeeze3A_827 : vector<8x16x80xf32> to vector<128x80xf32>
    %get3A_829 = arith.constant 4 : index
    %get3A_830 = arith.constant 0 : index
    %get3A_831 = arith.constant 0 : index
    %get3A_832 = vector.load %arg5[%get3A_829, %get3A_830, %get3A_831] : memref<5x80x80xf32, #tpu.memory_space<vmem>>, vector<1x80x80xf32>
    %get3A_833 = vector.shape_cast %get3A_832 : vector<1x80x80xf32> to vector<80x80xf32>
    %dot_general3A_834 = arith.constant dense<0.000000e+00> : vector<128x80xf32>
    %dot_general3A_835 = tpu.matmul %reshape3A_828, %get3A_833, %dot_general3A_834 {dimension_numbers = #tpu.dot_dimension_numbers<[1], [0], [0], [1], [0, 0, 1, 1], [], []>, transpose_lhs_hint = false} : vector<128x80xf32>, vector<80x80xf32>, vector<128x80xf32> -> vector<128x80xf32>
    %get3A_836 = arith.constant 4 : index
    %get3A_837 = arith.constant 0 : index
    %get3A_838 = vector.load %arg6[%get3A_836, %get3A_837] : memref<5x80xf32, #tpu.memory_space<vmem>>, vector<1x80xf32>
    %get3A_839 = vector.shape_cast %get3A_838 : vector<1x80xf32> to vector<80xf32>
    %broadcast_in_dim3A_840 = vector.shape_cast %get3A_839 : vector<80xf32> to vector<1x80xf32>
    %add3A_841 = vector.broadcast %broadcast_in_dim3A_840 : vector<1x80xf32> to vector<128x80xf32>
    %add3A_842 = arith.addf %dot_general3A_835, %add3A_841 : vector<128x80xf32>
    %reshape3A_843 = vector.shape_cast %add3A_842 : vector<128x80xf32> to vector<8x16x80xf32>
    %reduce_max3A_844 = arith.constant dense<0xFF800000> : vector<8x80xf32>
    %reduce_max3A_845 = vector.multi_reduction <maximumf>, %reshape3A_843, %reduce_max3A_844 [1] : vector<8x16x80xf32> to vector<8x80xf32>
    %concatenate3A_846 = tpu.concatenate %reduce_max3A_765, %reduce_max3A_785, %reduce_max3A_805, %reduce_max3A_825, %reduce_max3A_845 in 1 : vector<8x80xf32>, vector<8x80xf32>, vector<8x80xf32>, vector<8x80xf32>, vector<8x80xf32> -> vector<8x400xf32>
    %swap3A = arith.constant 0 : index
    %swap3A_847 = arith.constant 0 : index
    %swap3A_848 = vector.load %arg7[%swap3A, %swap3A_847] : memref<8x400xf32, #tpu.memory_space<vmem>>, vector<8x400xf32>
    tpu.vector_store %arg7[%swap3A, %swap3A_847], %concatenate3A_846 {strides = array<i32>} : memref<8x400xf32, #tpu.memory_space<vmem>>, vector<8x400xf32>,
    return
  }
  func.func @transform_0(%arg0: i32) -> (i32, i32, i32) {
    %c0_i32 = arith.constant 0 : i32
    %c0_i32_0 = arith.constant 0 : i32
    %c0_i32_1 = arith.constant 0 : i32
    return %arg0, %c0_i32, %c0_i32_0 : i32, i32, i32
  }
  func.func @transform_1(%arg0: i32) -> (i32, i32, i32) {
    %c0_i32 = arith.constant 0 : i32
    %c0_i32_0 = arith.constant 0 : i32
    %c0_i32_1 = arith.constant 0 : i32
    %c0_i32_2 = arith.constant 0 : i32
    return %c0_i32, %c0_i32_0, %c0_i32_1 : i32, i32, i32
  }
  func.func @transform_2(%arg0: i32) -> (i32, i32, i32) {
    %c0_i32 = arith.constant 0 : i32
    %c0_i32_0 = arith.constant 0 : i32
    %c0_i32_1 = arith.constant 0 : i32
    %c0_i32_2 = arith.constant 0 : i32
    return %c0_i32, %c0_i32_0, %c0_i32_1 : i32, i32, i32
  }
  func.func @transform_3(%arg0: i32) -> (i32, i32) {
    %c0_i32 = arith.constant 0 : i32
    %c0_i32_0 = arith.constant 0 : i32
    %c0_i32_1 = arith.constant 0 : i32
    return %c0_i32, %c0_i32_0 : i32, i32
  }
  func.func @transform_4(%arg0: i32) -> (i32, i32, i32) {
    %c0_i32 = arith.constant 0 : i32
    %c0_i32_0 = arith.constant 0 : i32
    %c0_i32_1 = arith.constant 0 : i32
    %c0_i32_2 = arith.constant 0 : i32
    return %c0_i32, %c0_i32_0, %c0_i32_1 : i32, i32, i32
  }
  func.func @transform_5(%arg0: i32) -> (i32, i32) {
    %c0_i32 = arith.constant 0 : i32
    %c0_i32_0 = arith.constant 0 : i32
    %c0_i32_1 = arith.constant 0 : i32
    return %c0_i32, %c0_i32_0 : i32, i32
  }
  func.func @transform_6(%arg0: i32) -> (i32, i32) {
    %c0_i32 = arith.constant 0 : i32
    %c0_i32_0 = arith.constant 0 : i32
    return %arg0, %c0_i32 : i32, i32
  }
}

module attributes {stable_mosaic.version = 14 : i64} {
  func.func @_head1_body(%arg0: memref<128x400xf32, #tpu.memory_space<vmem>>, %arg1: memref<1x400xf32, #tpu.memory_space<vmem>>, %arg2: memref<1x400xf32, #tpu.memory_space<vmem>>, %arg3: memref<400x80xf32, #tpu.memory_space<vmem>>, %arg4: memref<1x80xf32, #tpu.memory_space<vmem>>, %arg5: memref<1x80xf32, #tpu.memory_space<vmem>>, %arg6: memref<1x80xf32, #tpu.memory_space<vmem>>, %arg7: memref<4x80x80xf32, #tpu.memory_space<vmem>>) attributes {dimension_semantics = [], scalar_prefetch = 0 : i64, scratch_operands = 0 : i64, tpu.core_type = #tpu.core_type<tc>} {
    %get3A = arith.constant 0 : index
    %get3A_0 = arith.constant 0 : index
    %get3A_1 = vector.load %arg0[%get3A, %get3A_0] : memref<128x400xf32, #tpu.memory_space<vmem>>, vector<128x400xf32>
    %get3A_2 = arith.constant 0 : index
    %get3A_3 = arith.constant 0 : index
    %get3A_4 = vector.load %arg1[%get3A_2, %get3A_3] : memref<1x400xf32, #tpu.memory_space<vmem>>, vector<1x400xf32>
    %mul3A = vector.broadcast %get3A_4 : vector<1x400xf32> to vector<128x400xf32>
    %mul3A_5 = arith.mulf %get3A_1, %mul3A : vector<128x400xf32>
    %get3A_6 = arith.constant 0 : index
    %get3A_7 = arith.constant 0 : index
    %get3A_8 = vector.load %arg2[%get3A_6, %get3A_7] : memref<1x400xf32, #tpu.memory_space<vmem>>, vector<1x400xf32>
    %add3A = vector.broadcast %get3A_8 : vector<1x400xf32> to vector<128x400xf32>
    %add3A_9 = arith.addf %mul3A_5, %add3A : vector<128x400xf32>
    %max3A = arith.constant 0.000000e+00 : f32
    %max3A_10 = vector.broadcast %max3A : f32 to vector<128x400xf32>
    %max3A_11 = arith.maximumf %add3A_9, %max3A_10 : vector<128x400xf32>
    %get3A_12 = arith.constant 0 : index
    %get3A_13 = arith.constant 0 : index
    %get3A_14 = vector.load %arg3[%get3A_12, %get3A_13] : memref<400x80xf32, #tpu.memory_space<vmem>>, vector<400x80xf32>
    %dot_general3A = arith.constant dense<0.000000e+00> : vector<128x80xf32>
    %dot_general3A_15 = tpu.matmul %max3A_11, %get3A_14, %dot_general3A {dimension_numbers = #tpu.dot_dimension_numbers<[1], [0], [0], [1], [0, 0, 1, 1], [], []>, transpose_lhs_hint = false} : vector<128x400xf32>, vector<400x80xf32>, vector<128x80xf32> -> vector<128x80xf32>
    %get3A_16 = arith.constant 0 : index
    %get3A_17 = arith.constant 0 : index
    %get3A_18 = vector.load %arg4[%get3A_16, %get3A_17] : memref<1x80xf32, #tpu.memory_space<vmem>>, vector<1x80xf32>
    %add3A_19 = vector.broadcast %get3A_18 : vector<1x80xf32> to vector<128x80xf32>
    %add3A_20 = arith.addf %dot_general3A_15, %add3A_19 : vector<128x80xf32>
    %get3A_21 = arith.constant 0 : index
    %get3A_22 = arith.constant 0 : index
    %get3A_23 = vector.load %arg5[%get3A_21, %get3A_22] : memref<1x80xf32, #tpu.memory_space<vmem>>, vector<1x80xf32>
    %mul3A_24 = vector.broadcast %get3A_23 : vector<1x80xf32> to vector<128x80xf32>
    %mul3A_25 = arith.mulf %add3A_20, %mul3A_24 : vector<128x80xf32>
    %get3A_26 = arith.constant 0 : index
    %get3A_27 = arith.constant 0 : index
    %get3A_28 = vector.load %arg6[%get3A_26, %get3A_27] : memref<1x80xf32, #tpu.memory_space<vmem>>, vector<1x80xf32>
    %add3A_29 = vector.broadcast %get3A_28 : vector<1x80xf32> to vector<128x80xf32>
    %add3A_30 = arith.addf %mul3A_25, %add3A_29 : vector<128x80xf32>
    %max3A_31 = arith.constant 0.000000e+00 : f32
    %max3A_32 = vector.broadcast %max3A_31 : f32 to vector<128x80xf32>
    %max3A_33 = arith.maximumf %add3A_30, %max3A_32 : vector<128x80xf32>
    %slice3A = vector.extract_strided_slice %max3A_33 {offsets = [0, 0], sizes = [32, 80], strides = [1, 1]} : vector<128x80xf32> to vector<32x80xf32>
    %dot_general3A_34 = arith.constant dense<0.000000e+00> : vector<80x80xf32>
    %dot_general3A_35 = tpu.matmul %slice3A, %slice3A, %dot_general3A_34 {dimension_numbers = #tpu.dot_dimension_numbers<[0], [0], [1], [1], [0, 1, 1, 1], [], []>, transpose_lhs_hint = false} : vector<32x80xf32>, vector<32x80xf32>, vector<80x80xf32> -> vector<80x80xf32>
    %mul3A_36 = arith.constant 3.125000e-02 : f32
    %mul3A_37 = vector.broadcast %mul3A_36 : f32 to vector<80x80xf32>
    %mul3A_38 = arith.mulf %dot_general3A_35, %mul3A_37 : vector<80x80xf32>
    %swap3A = arith.constant 0 : index
    %swap3A_39 = arith.constant 0 : index
    %swap3A_40 = arith.constant 0 : index
    %swap3A_41 = vector.load %arg7[%swap3A, %swap3A_39, %swap3A_40] : memref<4x80x80xf32, #tpu.memory_space<vmem>>, vector<1x80x80xf32>
    %swap3A_42 = vector.shape_cast %swap3A_41 : vector<1x80x80xf32> to vector<80x80xf32>
    %swap3A_43 = vector.shape_cast %mul3A_38 : vector<80x80xf32> to vector<1x80x80xf32>
    tpu.vector_store %arg7[%swap3A, %swap3A_39, %swap3A_40], %swap3A_43 {strides = array<i32>} : memref<4x80x80xf32, #tpu.memory_space<vmem>>, vector<1x80x80xf32>,
    %slice3A_44 = vector.extract_strided_slice %max3A_33 {offsets = [32, 0], sizes = [32, 80], strides = [1, 1]} : vector<128x80xf32> to vector<32x80xf32>
    %dot_general3A_45 = arith.constant dense<0.000000e+00> : vector<80x80xf32>
    %dot_general3A_46 = tpu.matmul %slice3A_44, %slice3A_44, %dot_general3A_45 {dimension_numbers = #tpu.dot_dimension_numbers<[0], [0], [1], [1], [0, 1, 1, 1], [], []>, transpose_lhs_hint = false} : vector<32x80xf32>, vector<32x80xf32>, vector<80x80xf32> -> vector<80x80xf32>
    %mul3A_47 = arith.constant 3.125000e-02 : f32
    %mul3A_48 = vector.broadcast %mul3A_47 : f32 to vector<80x80xf32>
    %mul3A_49 = arith.mulf %dot_general3A_46, %mul3A_48 : vector<80x80xf32>
    %swap3A_50 = arith.constant 1 : index
    %swap3A_51 = arith.constant 0 : index
    %swap3A_52 = arith.constant 0 : index
    %swap3A_53 = vector.load %arg7[%swap3A_50, %swap3A_51, %swap3A_52] : memref<4x80x80xf32, #tpu.memory_space<vmem>>, vector<1x80x80xf32>
    %swap3A_54 = vector.shape_cast %swap3A_53 : vector<1x80x80xf32> to vector<80x80xf32>
    %swap3A_55 = vector.shape_cast %mul3A_49 : vector<80x80xf32> to vector<1x80x80xf32>
    tpu.vector_store %arg7[%swap3A_50, %swap3A_51, %swap3A_52], %swap3A_55 {strides = array<i32>} : memref<4x80x80xf32, #tpu.memory_space<vmem>>, vector<1x80x80xf32>,
    %slice3A_56 = vector.extract_strided_slice %max3A_33 {offsets = [64, 0], sizes = [32, 80], strides = [1, 1]} : vector<128x80xf32> to vector<32x80xf32>
    %dot_general3A_57 = arith.constant dense<0.000000e+00> : vector<80x80xf32>
    %dot_general3A_58 = tpu.matmul %slice3A_56, %slice3A_56, %dot_general3A_57 {dimension_numbers = #tpu.dot_dimension_numbers<[0], [0], [1], [1], [0, 1, 1, 1], [], []>, transpose_lhs_hint = false} : vector<32x80xf32>, vector<32x80xf32>, vector<80x80xf32> -> vector<80x80xf32>
    %mul3A_59 = arith.constant 3.125000e-02 : f32
    %mul3A_60 = vector.broadcast %mul3A_59 : f32 to vector<80x80xf32>
    %mul3A_61 = arith.mulf %dot_general3A_58, %mul3A_60 : vector<80x80xf32>
    %swap3A_62 = arith.constant 2 : index
    %swap3A_63 = arith.constant 0 : index
    %swap3A_64 = arith.constant 0 : index
    %swap3A_65 = vector.load %arg7[%swap3A_62, %swap3A_63, %swap3A_64] : memref<4x80x80xf32, #tpu.memory_space<vmem>>, vector<1x80x80xf32>
    %swap3A_66 = vector.shape_cast %swap3A_65 : vector<1x80x80xf32> to vector<80x80xf32>
    %swap3A_67 = vector.shape_cast %mul3A_61 : vector<80x80xf32> to vector<1x80x80xf32>
    tpu.vector_store %arg7[%swap3A_62, %swap3A_63, %swap3A_64], %swap3A_67 {strides = array<i32>} : memref<4x80x80xf32, #tpu.memory_space<vmem>>, vector<1x80x80xf32>,
    %slice3A_68 = vector.extract_strided_slice %max3A_33 {offsets = [96, 0], sizes = [32, 80], strides = [1, 1]} : vector<128x80xf32> to vector<32x80xf32>
    %dot_general3A_69 = arith.constant dense<0.000000e+00> : vector<80x80xf32>
    %dot_general3A_70 = tpu.matmul %slice3A_68, %slice3A_68, %dot_general3A_69 {dimension_numbers = #tpu.dot_dimension_numbers<[0], [0], [1], [1], [0, 1, 1, 1], [], []>, transpose_lhs_hint = false} : vector<32x80xf32>, vector<32x80xf32>, vector<80x80xf32> -> vector<80x80xf32>
    %mul3A_71 = arith.constant 3.125000e-02 : f32
    %mul3A_72 = vector.broadcast %mul3A_71 : f32 to vector<80x80xf32>
    %mul3A_73 = arith.mulf %dot_general3A_70, %mul3A_72 : vector<80x80xf32>
    %swap3A_74 = arith.constant 3 : index
    %swap3A_75 = arith.constant 0 : index
    %swap3A_76 = arith.constant 0 : index
    %swap3A_77 = vector.load %arg7[%swap3A_74, %swap3A_75, %swap3A_76] : memref<4x80x80xf32, #tpu.memory_space<vmem>>, vector<1x80x80xf32>
    %swap3A_78 = vector.shape_cast %swap3A_77 : vector<1x80x80xf32> to vector<80x80xf32>
    %swap3A_79 = vector.shape_cast %mul3A_73 : vector<80x80xf32> to vector<1x80x80xf32>
    tpu.vector_store %arg7[%swap3A_74, %swap3A_75, %swap3A_76], %swap3A_79 {strides = array<i32>} : memref<4x80x80xf32, #tpu.memory_space<vmem>>, vector<1x80x80xf32>,
    return
  }
}

module attributes {stable_mosaic.version = 14 : i64} {
  func.func @_head2_body(%arg0: memref<4x6400xf32, #tpu.memory_space<vmem>>, %arg1: memref<6400x64xf32, #tpu.memory_space<vmem>>, %arg2: memref<1x64xf32, #tpu.memory_space<vmem>>, %arg3: memref<1x64xf32, #tpu.memory_space<vmem>>, %arg4: memref<1x64xf32, #tpu.memory_space<vmem>>, %arg5: memref<64x7xf32, #tpu.memory_space<vmem>>, %arg6: memref<1x7xf32, #tpu.memory_space<vmem>>, %arg7: memref<4x7xf32, #tpu.memory_space<vmem>>) attributes {dimension_semantics = [], scalar_prefetch = 0 : i64, scratch_operands = 0 : i64, tpu.core_type = #tpu.core_type<tc>} {
    %get3A = arith.constant 0 : index
    %get3A_0 = arith.constant 0 : index
    %get3A_1 = vector.load %arg0[%get3A, %get3A_0] : memref<4x6400xf32, #tpu.memory_space<vmem>>, vector<4x6400xf32>
    %get3A_2 = arith.constant 0 : index
    %get3A_3 = arith.constant 0 : index
    %get3A_4 = vector.load %arg1[%get3A_2, %get3A_3] : memref<6400x64xf32, #tpu.memory_space<vmem>>, vector<6400x64xf32>
    %dot_general3A = arith.constant dense<0.000000e+00> : vector<4x64xf32>
    %dot_general3A_5 = tpu.matmul %get3A_1, %get3A_4, %dot_general3A {dimension_numbers = #tpu.dot_dimension_numbers<[1], [0], [0], [1], [0, 0, 1, 1], [], []>, transpose_lhs_hint = false} : vector<4x6400xf32>, vector<6400x64xf32>, vector<4x64xf32> -> vector<4x64xf32>
    %get3A_6 = arith.constant 0 : index
    %get3A_7 = arith.constant 0 : index
    %get3A_8 = vector.load %arg2[%get3A_6, %get3A_7] : memref<1x64xf32, #tpu.memory_space<vmem>>, vector<1x64xf32>
    %add3A = vector.broadcast %get3A_8 : vector<1x64xf32> to vector<4x64xf32>
    %add3A_9 = arith.addf %dot_general3A_5, %add3A : vector<4x64xf32>
    %max3A = arith.constant 0.000000e+00 : f32
    %max3A_10 = vector.broadcast %max3A : f32 to vector<4x64xf32>
    %max3A_11 = arith.maximumf %add3A_9, %max3A_10 : vector<4x64xf32>
    %get3A_12 = arith.constant 0 : index
    %get3A_13 = arith.constant 0 : index
    %get3A_14 = vector.load %arg3[%get3A_12, %get3A_13] : memref<1x64xf32, #tpu.memory_space<vmem>>, vector<1x64xf32>
    %mul3A = vector.broadcast %get3A_14 : vector<1x64xf32> to vector<4x64xf32>
    %mul3A_15 = arith.mulf %max3A_11, %mul3A : vector<4x64xf32>
    %get3A_16 = arith.constant 0 : index
    %get3A_17 = arith.constant 0 : index
    %get3A_18 = vector.load %arg4[%get3A_16, %get3A_17] : memref<1x64xf32, #tpu.memory_space<vmem>>, vector<1x64xf32>
    %add3A_19 = vector.broadcast %get3A_18 : vector<1x64xf32> to vector<4x64xf32>
    %add3A_20 = arith.addf %mul3A_15, %add3A_19 : vector<4x64xf32>
    %get3A_21 = arith.constant 0 : index
    %get3A_22 = arith.constant 0 : index
    %get3A_23 = vector.load %arg5[%get3A_21, %get3A_22] : memref<64x7xf32, #tpu.memory_space<vmem>>, vector<64x7xf32>
    %dot_general3A_24 = arith.constant dense<0.000000e+00> : vector<4x7xf32>
    %dot_general3A_25 = tpu.matmul %add3A_20, %get3A_23, %dot_general3A_24 {dimension_numbers = #tpu.dot_dimension_numbers<[1], [0], [0], [1], [0, 0, 1, 1], [], []>, transpose_lhs_hint = false} : vector<4x64xf32>, vector<64x7xf32>, vector<4x7xf32> -> vector<4x7xf32>
    %get3A_26 = arith.constant 0 : index
    %get3A_27 = arith.constant 0 : index
    %get3A_28 = vector.load %arg6[%get3A_26, %get3A_27] : memref<1x7xf32, #tpu.memory_space<vmem>>, vector<1x7xf32>
    %add3A_29 = vector.broadcast %get3A_28 : vector<1x7xf32> to vector<4x7xf32>
    %add3A_30 = arith.addf %dot_general3A_25, %add3A_29 : vector<4x7xf32>
    %swap3A = arith.constant 0 : index
    %swap3A_31 = arith.constant 0 : index
    %swap3A_32 = vector.load %arg7[%swap3A, %swap3A_31] : memref<4x7xf32, #tpu.memory_space<vmem>>, vector<4x7xf32>
    tpu.vector_store %arg7[%swap3A, %swap3A_31], %add3A_30 {strides = array<i32>} : memref<4x7xf32, #tpu.memory_space<vmem>>, vector<4x7xf32>,
    return
  }
}

</mosaic_0001>

<sc_bundles>
// kernel: kernel.7.cloned.1.call-start
scs
__scs_entry_jumppad:
0x0: {  	(pc) =	sbr.rel $0x88, $3  }
0x1: {  	(tag) =	ssettag $0x0;
	lr =	simm.s32 $0x1  }
0x2: {  	[smem:$0x3F8D] =	sst lr;
	_ =	strace $0xD0000000  }
0x3: {  	_ = 	snop  }
0x4: {  	_ = 	snop  }
0x5: {  	_ = 	snop  }
0x6: {  	_ = 	snop  }
0x7: {  	_ = 	snop  }
__scs_overlays_trampoline_lowered:
0x8: {  	[smem:$0x3F9C] =	sst s0  }
0x9: {  	[smem:$0x3F9D] =	sst s1  }
0xa: {  	[smem:$0x3F9E] =	sst s2  }
0xb: {  	[smem:$0x3F9F] =	sst s3  }
0xc: {  	[smem:$0x3FA0] =	sst s4  }
0xd: {  	[smem:$0x3FA1] =	sst s5  }
0xe: {  	[smem:$0x3FA2] =	sst s6  }
0xf: {  	[smem:$0x3FA3] =	sst s7  }
0x10: {  	[smem:$0x3FA4] =	sst s8  }
0x11: {  	[smem:$0x3FA5] =	sst s9;
	s0 =	simm.s32 @!p0 $0x0  }
0x12: {  	s1 =	sld [smem:$0x3F8B];
	s0 =	simm.s32 @p0 $0x1  }
0x13: {  	[smem:$0x3FA6] =	sst s0;
	s0 =	simm.s32 @!p1 $0x0  }
0x14: {  	s2 =	sld [smem:$0x3F8A];
	s0 =	simm.s32 @p1 $0x1  }
0x15: {  	[smem:$0x3FA7] =	sst s0;
	s0 =	simm.s32 @!p2 $0x0  }
0x16: {  	s3 =	sld [smem:$0x3FDB];
	s0 =	simm.s32 @p2 $0x1  }
0x17: {  	s4 =	simm.s32 $0x1BF5;
	[smem:$0x3FA9] =	sst s0  }
0x18: {  	s0 =	sld [smem:$0x3F8C];
	_ =	swait.ge [sflag:s4], $0x0  }
0x19: {  	s7 =	sld [smem:$0x3F8D]  }
0x1a: {  	s8 =	sadd.s32 $0xFFFFE003, lr  }
0x1b: {  	s9 =	sadd.s32 $0xFFFFFEF7, lr;
	s5 =	simm.s32 $0xFFFFFFFF;
	p2 =	slt.u32 s8, $0xFFFFF086  }
0x1c: {  	p1 =	slt.u32 s9, $0xF7A;
	s5 =	simm.s32 @!p2 $0x0  }
0x1d: {  	s5 =	simm.s32 @p1 $0x1;
	p0 =	seq.s32 s7, s2  }
0x1e: {  	s7 =	smul.u32 @!p0 $0xF7A, s2;
	p2 =	seq.s32 @!p0 s5, $0x0  }
0x1f: {  	s9 =	smul.u32 $0xF7A, s1;
	s8 =	simm.s32 @!p0 $0x1BF5;
	p2 =	por !p2, p0  }
0x20: {  	[sflag:s8] =	ssyncset.s32 @!p0 $0xFFFFF086;
	s6 =	sadd.s32 @!p0 s3, s7;
	s7 =	simm.s32 @!p0 $0x108  }
0x21: {  	s3 =	sadd.s32 s3, s9;
	s6 =	sadd.s32 @!p0 $0x88, s6;
	s7 =	simm.s32 @p2 $0x1082  }
0x22: {  	[simem:s7], [sflag:s8] =	dma.local @!p0 [hbm:s6], $0xF7A  }
0x23: {  	s9 =	sor.u32 $0xD0000000, s2;
	s6 =	simm.s32 $0x108;
	_ =	swait.ge @!p0 [sflag:s8], $0x0  }
0x24: {  	s3 =	sadd.s32 $0x88, s3;
	s6 =	simm.s32 @!p1 $0x1082;
	[sflag:s4] =	ssyncset.s32 $0xFFFFF086  }
0x25: {  	[simem:s6], [sflag:s4] =	dma.local [hbm:s3], $0xF7A  }
0x26: {  	[smem:$0x3F8D] =	sst s1;
	(tag) =	ssettag s2;
	_ =	strace s9  }
0x27: {  	s1 =	sld [smem:$0x3F9D]  }
0x28: {  	s2 =	sld [smem:$0x3F9E]  }
0x29: {  	s4 =	sld [smem:$0x3FA0]  }
0x2a: {  	p0 =	seq.s32 s5, $0x0;
	s5 =	sld [smem:$0x3FA1]  }
0x2b: {  	s6 =	sld [smem:$0x3FA2]  }
0x2c: {  	s7 =	sld [smem:$0x3FA3]  }
0x2d: {  	s3 =	simm.s32 $0x108;
	s8 =	sld [smem:$0x3FA4]  }
0x2e: {  	s3 =	simm.s32 @!p0 $0x1082;
	s9 =	sld [smem:$0x3FA5]  }
0x2f: {  	lr =	sadd.s32 s0, s3;
	s0 =	sld [smem:$0x3F9C]  }
0x30: {  	s3 =	sld [smem:$0x3F9F]  }
0x31: {  	[smem:$0x3FA8] =	sst s10  }
0x32: {  	s10 =	sld [smem:$0x3FA6];
	_ =	sdelay $0x3  }
0x33: {  	p0 =	seq.s32 s10, $0x1;
	s10 =	sld [smem:$0x3FA8];
	_ =	sdelay $0x3  }
0x34: {  	[smem:$0x3FA8] =	sst s10  }
0x35: {  	s10 =	sld [smem:$0x3FA7];
	_ =	sdelay $0x3  }
0x36: {  	p1 =	seq.s32 s10, $0x1;
	s10 =	sld [smem:$0x3FA8];
	_ =	sdelay $0x3  }
0x37: {  	[smem:$0x3FA8] =	sst s10  }
0x38: {  	s10 =	sld [smem:$0x3FA9]  }
0x39: {  	_ = 	snop;
	(pc) =	sbr.ind lr, $3  }
0x3a: {  	_ = 	snop  }
0x3b: {  	_ = 	snop  }
0x3c: {  	p2 =	seq.s32 s10, $0x1;
	s10 =	sld [smem:$0x3FA8]  }
0x3d: {  	_ =	shalt  }
0x3e: {  	_ =	shalt  }
0x3f: {  	_ =	shalt  }
0x40: {  	_ =	shalt  }
0x41: {  	_ =	shalt  }
0x42: {  	_ =	shalt  }
0x43: {  	_ =	shalt  }
0x44: {  	_ =	shalt  }
0x45: {  	_ =	shalt  }
0x46: {  	_ =	shalt  }
0x47: {  	_ =	shalt  }
0x48: {  	_ =	shalt  }
0x49: {  	_ =	shalt  }
0x4a: {  	_ =	shalt  }
0x4b: {  	_ =	shalt  }
0x4c: {  	_ =	shalt  }
0x4d: {  	_ =	shalt  }
0x4e: {  	_ =	shalt  }
0x4f: {  	_ =	shalt  }
0x50: {  	_ =	shalt  }
0x51: {  	_ =	shalt  }
0x52: {  	_ =	shalt  }
0x53: {  	_ =	shalt  }
0x54: {  	_ =	shalt  }
0x55: {  	_ =	shalt  }
0x56: {  	_ =	shalt  }
0x57: {  	_ =	shalt  }
0x58: {  	_ =	shalt  }
0x59: {  	_ =	shalt  }
0x5a: {  	_ =	shalt  }
0x5b: {  	_ =	shalt  }
0x5c: {  	_ =	shalt  }
0x5d: {  	_ =	shalt  }
0x5e: {  	_ =	shalt  }
0x5f: {  	_ =	shalt  }
0x60: {  	_ =	shalt  }
0x61: {  	_ =	shalt  }
0x62: {  	_ =	shalt  }
0x63: {  	_ =	shalt  }
0x64: {  	_ =	shalt  }
0x65: {  	_ =	shalt  }
0x66: {  	_ =	shalt  }
0x67: {  	_ =	shalt  }
0x68: {  	_ =	shalt  }
0x69: {  	_ =	shalt  }
0x6a: {  	_ =	shalt  }
0x6b: {  	_ =	shalt  }
0x6c: {  	_ =	shalt  }
0x6d: {  	_ =	shalt  }
0x6e: {  	_ =	shalt  }
0x6f: {  	_ =	shalt  }
0x70: {  	_ =	shalt  }
0x71: {  	_ =	shalt  }
0x72: {  	_ =	shalt  }
0x73: {  	_ =	shalt  }
0x74: {  	_ =	shalt  }
0x75: {  	_ =	shalt  }
0x76: {  	_ =	shalt  }
0x77: {  	_ =	shalt  }
0x78: {  	_ =	shalt  }
0x79: {  	_ =	shalt  }
0x7a: {  	_ =	shalt  }
0x7b: {  	_ =	shalt  }
0x7c: {  	_ =	shalt  }
0x7d: {  	_ =	shalt  }
0x7e: {  	_ =	shalt  }
0x7f: {  	_ =	shalt  }
0x80: {  	_ =	shalt  }
0x81: {  	_ =	shalt  }
0x82: {  	_ =	shalt  }
0x83: {  	_ =	shalt  }
0x84: {  	_ =	shalt  }
0x85: {  	_ =	shalt  }
0x86: {  	_ =	shalt  }
0x87: {  	_ =	shalt  }
.Lfunc_end0:
.L_simem_size_0:
called_computation_lowered:
.L_overlay_start_0:
0x88: {  	s2 =	sld [smem:$0x3FD9]  }
0x89: {  	s3 =	sld [smem:$0x3FFE];
	_ =	sdelay $0x1  }
0x8a: {  	s1 =	srdreg.scid  }
0x8b: {  	s0 =	sand.u32 $0x1, s1  }
0x8c: {  	s17 =	sshll.u32 s0, $0xA;
	s2 =	sadd.s32 s3, s2  }
0x8d: {  	s2 =	sadd.s32 s2, s17  }
0x8e: {  	[smem:$0x3FB4] =	sst s2  }
0x8f: {  	_ = 	snop  }
0x90: {  	s2 =	sld [smem:$0x3FD0];
	(tm) =	ssettm $0x1  }
0x91: {  	s18 =	sld [smem:$0x3FFB];
	_ =	sdelay $0x3  }
0x92: {  	_ =	strace s18  }
0x93: {  	s3 =	sld [smem:$0x3FFC];
	_ =	sdelay $0x3  }
0x94: {  	_ =	strace s3  }
0x95: {  	s3 =	sld [smem:$0x3FFD];
	_ =	sdelay $0x3  }
0x96: {  	_ =	strace s3  }
0x97: {  	_ =	strace $0x8FFFFFFF  }
0x98: {  	s19 =	sld [smem:$0x3FDB];
	_ =	sdelay $0x1  }
0x99: {  	s4 =	simm.s32 $_scs_section_size  }
0x9a: {  	s5 =	simm.s32 $_size__tile_overlayer_lowered;
	s6 =	simm.s32 $_tile_overlayer_lowered  }
0x9b: {  	s22 =	simm.s32 $0x1BFF;
	s21 =	sshll.u32 s6, $0x1;
	s3 =	sadd.s32 s4, s19  }
0x9c: {  	s7 =	simm.s32 $0x0;
	s20 =	sshll.u32 s5, $0x1;
	s5 =	sadd.s32 s21, s3  }
0x9d: {  	[timem:s7], [sflag:s22] =	dma.local [hbm:s5], s20  }
0x9e: {  	_ =	swait.ge [sflag:s22], s20  }
0x9f: {  	s4 =	ssub.s32 $0x0, s20;
	[sflag:s22] =	ssyncset.done $0x0  }
0xa0: {  	[sflag:s22] =	ssyncadd.s32 s4;
	_ =	sdelay $0x1  }
0xa1: {  	s23 =	simm.s32 $0x1B8B  }
0xa2: {  	_ =	swait.ge [sflag:s23], $0x1  }
0xa3: {  	[sflag:s23] =	ssyncset.done $0x0  }
0xa4: {  	s25 =	simm.s32 $0x1B8E;
	s24 =	sld [smem:$0x3FFE];
	[sflag:s23] =	ssyncadd.s32 $0xFFFFFFFF  }
0xa5: {  	s26 =	simm.s32 $execute0_lowered;
	[smem:$0x3FD2] =	sst s25  }
0xa6: {  	s5 =	sshll.u32 s26, $0x1;
	_ =	strace $0x80000046;
	[dreg:$0x1] =	wrdreg $0xFFFFFFFF  }
0xa7: {  	s28 =	simm.s32 $_size_execute0_lowered;
	s3 =	sadd.s32 s3, s5;
	[dreg:$0x0] =	wrdreg $0x0  }
0xa8: {  	s5 =	sshll.u32 s28, $0x1;
	[dreg:$0x2] =	wrdreg s3  }
0xa9: {  	[dreg:$0x3] =	wrdreg s5  }
0xaa: {  	[dreg:$0x4] =	wrdreg $0xC0  }
0xab: {  	_ =	task [dreg:s7], $0x5FFFF  }
0xac: {  	[dreg:$0x1] =	wrdreg $0xFFFFFFFF  }
0xad: {  	[dreg:$0x0] =	wrdreg $0x60  }
0xae: {  	[dreg:$0x2] =	wrdreg s24  }
0xaf: {  	[dreg:$0x3] =	wrdreg s2  }
0xb0: {  	[dreg:$0x4] =	wrdreg $0x9  }
0xb1: {  	_ =	task.clear_ibuf [dreg:s7], $0x5FFFF;
	_ =	strace $0x90000046  }
0xb2: {  	s29 =	simm.s32 $0x9;
	_ =	strace $0x80000048  }
0xb3: {  	_ =	swait.ge [sflag:s29], $0x1  }
0xb4: {  	[sflag:s29] =	ssyncadd.s32 $0xFFFFFFFF  }
0xb5: {  	_ =	strace $0x90000048  }
0xb6: {  	_ =	sfence  }
0xb7: {  	s30 =	sld [smem:$0x0];
	_ =	sdelay $0x2  }
0xb8: {  	s31 =	sshll.u32 s1, $0xD;
	s1 =	sshrl.u32 s1, $0x2  }
0xb9: {  	s3 =	sand.u32 $0x4000, s31;
	s1 =	sadd.s32 s1, s30  }
0xba: {  	s0 =	sor.u32 s3, s0;
	s1 =	sshll.u32 s1, $0x11  }
0xbb: {  	s0 =	sor.u32 s1, s0  }
0xbc: {  	s0 =	sadd.s32 $0x8F2B, s0  }
0xbd: {  	[sflag:s0] =	ssyncadd.remote.s32 $0x1  }
0xbe: {  	_ =	sfence.sel $0xFFFF  }
0xbf: {  	[dreg:$0x0] =	wrdreg $0xFFFFFFFF;
	(pc) =	sbr.abs _section_cstart, $3  }
0xc0: {  	[dreg:$0x1] =	wrdreg $0xFFFFFFFF  }
0xc1: {  	_ =	task.clear_ibuf [dreg:s7], $0x2FFFF;
	_ =	strace $0x9FFFFFFF  }
0xc2: {  	(tm) =	ssettm $0x7FFFFFFF  }
0xc3: {  	_ =	shalt  }
tec
execute0_lowered:
.L_overlay_start_1:
0x0: {  	(tag) =	ssettag $0x1  }
0x1: {  	s1 =	stileid.u32  }
0x2: {  	p0 =	sgt.u32 s1, $0x7  }
.Ltmp0:
0x3: {  	_ = 	snop;
	(pc) =	sbr.rel @p0 .LBB2_4-.Ltmp0, $4  }
0x4: {  	s8 =	rddreg [dreg:$0x0]  }
0x5: {  	s3 =	rddreg [dreg:$0x1];
	s2 =	simm.s32 $0x0  }
0x6: {  	[smem:$0x7FF] =	sst s2  }
0x7: {  	s0 =	rddreg [dreg:$0x2];
	_ =	strace $0x80000047  }
0x8: {  	s4 =	srdreg.scid  }
0x9: {  	s29 =	sshll.u32 s1, $0x1;
	s6 =	sand.u32 $0x1, s4  }
0xa: {  	s9 =	sor.u32 s6, s29  }
0xb: {  	s4 =	sadd.s32 s3, s9;
	s3 =	simm.s32 $0x2  }
0xc: {  	[tilespmem:s2], [sflag:$0x2] =	stream.linear.gather [hbm4b:s4+s2], $0x8, $0x38;
	[tilespmem:$0x4080] =	vst v63  }
0xd: {  	_ =	swait.ge [sflag:s3], $0x8  }
0xe: {  	[sflag:s3] =	ssyncset.done $0x0  }
0xf: {  	[sflag:s3] =	ssyncadd.s32 $0xFFFFFFF8  }
0x10: {  	v1 =	vld.msk [tilespmem:$0x0], $0xff;
	_ =	sdelay $0x4  }
0x11: {  	v0 =	vlaneseq.u32;
	v1 =	vshll.u32 v1, $0xB  }
0x12: {  	v1 =	vperm.xlane v1, v0;
	_ =	sdelay $0x1  }
0x13: {  	s10 =	ssub.s32 $0x2, s6  }
0x14: {  	s5 =	sadd.s32 $0x3000, s8;
	s11 =	sshrl.u32 s10, $0x1  }
0x15: {  	s7 =	simm.s32 $0x1;
	s9 =	sshll.u32 s9, $0xB;
	s31 =	ssub.s32 s10, s11  }
0x16: {  	vm0 =	vmmov $0xff;
	s6 =	simm.s32 $0x80;
	s30 =	sadd.s32 s9, s8;
	s9 =	smax.u32 s31, $0x1  }
0x17: {  	[tilespmem:s6], [sflag:$0x1] =	stream.indirect_vreg.gather [hbm4b:s5+s2], $0x800, v1, vm0, $0x38;
	[tilespmem:$0x4080] =	vst v63  }
0x18: {  	p0 =	sne.s32 s9, $0x1;
	_ =	swait.ge [sflag:s7], $0x4000  }
.Ltmp1:
0x19: {  	[sflag:s7] =	ssyncset.done $0x0;
	(pc) =	sbr.rel @!p0 .LBB2_3-.Ltmp1, $4  }
0x1a: {  	s8 =	sadd.s32 $0x13000, s30;
	[sflag:s7] =	ssyncadd.s32 $0xFFFFC000  }
0x1b: {  	[hbm4b:s8+s2] =	stream.linear.scatter [tilespmem:s6], [sflag:$0x2], $0x4000, $0x38;
	[tilespmem:$0x4080] =	vst v63  }
0x1c: {  	_ =	swait.ge [sflag:s3], $0x4000  }
0x1d: {  	s9 =	sadd.s32 $0xFFFFFFFF, s9;
	[sflag:s3] =	ssyncset.done $0x0  }
.LBB2_2:
0x1e: {  	p0 =	sne.s32 s9, $0x1;
	s9 =	sadd.s32 $0xFFFFFFFF, s9;
	[sflag:s3] =	ssyncadd.s32 $0xFFFFC000  }
0x1f: {  	[tilespmem:s2], [sflag:$0x2] =	stream.linear.gather [hbm4b:s4+s2], $0x8, $0x38;
	[tilespmem:$0x4080] =	vst v63  }
0x20: {  	_ =	swait.ge [sflag:s3], $0x8  }
0x21: {  	[sflag:s3] =	ssyncset.done $0x0  }
0x22: {  	[sflag:s3] =	ssyncadd.s32 $0xFFFFFFF8  }
0x23: {  	v1 =	vld.msk [tilespmem:$0x0], $0xff;
	_ =	sdelay $0x4  }
0x24: {  	v1 =	vshll.u32 v1, $0xB  }
0x25: {  	v1 =	vperm.xlane v1, v0;
	_ =	sdelay $0x5  }
0x26: {  	[tilespmem:s6], [sflag:$0x1] =	stream.indirect_vreg.gather [hbm4b:s5+s2], $0x800, v1, vm0, $0x38;
	[tilespmem:$0x4080] =	vst v63  }
0x27: {  	_ =	swait.ge [sflag:s7], $0x4000  }
.Ltmp2:
0x28: {  	[sflag:s7] =	ssyncset.done $0x0;
	(pc) =	sbr.rel @p0 .LBB2_2-.Ltmp2, $4  }
0x29: {  	[sflag:s7] =	ssyncadd.s32 $0xFFFFC000  }
0x2a: {  	[hbm4b:s8+s2] =	stream.linear.scatter [tilespmem:s6], [sflag:$0x2], $0x4000, $0x38;
	[tilespmem:$0x4080] =	vst v63  }
0x2b: {  	_ =	swait.ge [sflag:s3], $0x4000  }
0x2c: {  	[sflag:s3] =	ssyncset.done $0x0  }
.LBB2_3:
0x2d: {  	[sflag:s3] =	ssyncadd.s32 $0xFFFFC000  }
.LBB2_4:
0x2e: {  	_ =	sfence.sel $0x180000  }
0x2f: {  	[bflag:$0x0] =	sbarrier.arrive $0xFFFF  }
0x30: {  	p0 =	sne.s32 s1, $0x0;
	_ =	strace $0x90000047  }
0x31: {  	s0 =	sadd.s32 @!p0 $0x100000, s0;
	[bflag:$0x2] =	sbarrier.arrive $0xFFFF  }
0x32: {  	[sflag:s0] =	ssyncadd.tile.s32 @!p0 $0x1;
	_ =	shalt  }
.Lfunc_end2:
_tile_overlayer_lowered:
.L_overlay_start_2:
0x33: {  	(tag) =	ssettag $0x2  }
0x34: {  	s0 =	rddreg [dreg:$0x0];
	s2 =	stileid.u32  }
0x35: {  	s1 =	rddreg [dreg:$0x1];
	p0 =	sne.s32 s2, $0x0  }
0x36: {  	s3 =	rddreg [dreg:$0x2];
	[bflag:$0x3] =	sbarrier.arrive $0xFFFF;
	s2 =	simm.s32 @!p0 $0x1C02  }
0x37: {  	[timem:s3], [sflag:s2] =	dma.local @!p0 [hbm:s0], s1  }
0x38: {  	s0 =	simm.s32 @!p0 $0x2  }
0x39: {  	_ =	swait.ge @!p0 [sflag:s0], s1  }
0x3a: {  	s1 =	ssub.s32 @!p0 $0x0, s1;
	[sflag:s0] =	ssyncset.done @!p0 $0x0  }
0x3b: {  	[sflag:s0] =	ssyncadd.s32 @!p0 s1  }
0x3c: {  	[bflag:$0x3] =	sbarrier.arrive $0xFFFF  }
0x3d: {  	_ =	shalt  }

</sc_bundles>
